<compile_context>
chip_gen: v7x
topology: tpu7x:2x2x1
jax: 0.10.2.dev20260603
libtpu: 0.0.44.dev20260713+nightly
codegen_flags: <defaults>
</compile_context>

<pallas_src>
import jax
import jax.numpy as jnp
from jax import lax
from jax.experimental import pallas as pl
from jax.experimental.pallas import tpu as pltpu
from jax.experimental.pallas import tpu_sc as plsc

B = 4096
D = 1024
ED = 8
VOCAB = 100
SORT = 15
BLK = 1024

NC, NS, L = 2, 16, 16
NW = NC * NS
RW = B // NW


def _dot(a, b):
    return jax.lax.dot_general(
        a, b, (((1,), (0,)), ((), ())),
        preferred_element_type=jnp.float32)



def _body_a(xs_ref, noise_ref, table_ref, w_sort_ref, b_sort_ref,
            prob_ref, scores_ref, ws_bf):
    @pl.when(pl.program_id(0) == 0)
    def _init():
        ws_bf[...] = w_sort_ref[...].astype(jnp.bfloat16)

    xs = xs_ref[...].astype(jnp.bfloat16)
    parent = table_ref[1:2, :].astype(jnp.bfloat16)

    const_sort = _dot(parent, ws_bf[:ED, :]) + b_sort_ref[...]
    logits = _dot(xs, ws_bf[2 * ED:, :]) + const_sort

    m = jnp.max(logits, axis=-1, keepdims=True)
    e = jnp.exp(logits - m)
    p = e / jnp.sum(e, axis=-1, keepdims=True)
    prob_ref[...] = p

    gumbel = -jnp.log(-jnp.log(noise_ref[...]))
    scores = jnp.log(p) + gumbel
    scores_ref[...] = scores.T



def _body_sc(scores_hbm, sort_hbm, scores_v, sort_v):
    wid = lax.axis_index("s") * NC + lax.axis_index("c")
    base = wid * RW
    for j in range(SORT):
        pltpu.sync_copy(scores_hbm.at[pl.ds(j * B + base, RW)],
                        scores_v.at[pl.ds(j * RW, RW)])

    def group(c, carry):
        off = pl.multiple_of(c * L, L)
        m = scores_v[pl.ds(off, L)]
        am = jnp.zeros((L,), jnp.int32)
        for j in range(1, SORT):
            v = scores_v[pl.ds(j * RW + off, L)]
            upd = v > m
            am = jnp.where(upd, j, am)
            m = jnp.where(upd, v, m)
        sort_v[pl.ds(off, L)] = am
        return carry

    lax.fori_loop(0, RW // L, group, 0)
    pltpu.sync_copy(sort_v, sort_hbm.at[pl.ds(base, RW)])



def _body_c(xs_ref, sort_ref, table_ref, w_note_ref, b_note_ref,
            note_ref, wn_bf):
    @pl.when(pl.program_id(0) == 0)
    def _init():
        wn_bf[...] = w_note_ref[...].astype(jnp.bfloat16)

    xs = xs_ref[...].astype(jnp.bfloat16)
    parent = table_ref[1:2, :].astype(jnp.bfloat16)

    idx = sort_ref[...]
    onehot = (jax.lax.broadcasted_iota(jnp.int32, (BLK, VOCAB), 1)
              == idx).astype(jnp.bfloat16)
    emb = _dot(onehot, table_ref[...].astype(jnp.bfloat16))
    emb = emb.astype(jnp.bfloat16)

    xe = jnp.concatenate([xs, emb], axis=1)
    const_note = _dot(parent, wn_bf[:ED, :]) + b_note_ref[...]
    note_ref[...] = _dot(xe, wn_bf[2 * ED:, :]) + const_note

def kernel(xs, noise, table, W_mask, b_mask, W_sort, b_sort, W_note, b_note):
    del W_mask, b_mask
    grid = (B // BLK,)

    prob, scores = pl.pallas_call(
        _body_a,
        grid=grid,
        in_specs=[
            pl.BlockSpec((BLK, D), lambda i: (i, 0)),
            pl.BlockSpec((BLK, SORT), lambda i: (i, 0)),
            pl.BlockSpec((VOCAB, ED), lambda i: (0, 0)),
            pl.BlockSpec((2 * ED + D, SORT), lambda i: (0, 0)),
            pl.BlockSpec((1, SORT), lambda i: (0, 0)),
        ],
        out_specs=[
            pl.BlockSpec((BLK, SORT), lambda i: (i, 0)),
            pl.BlockSpec((SORT, BLK), lambda i: (0, i)),
        ],
        out_shape=[
            jax.ShapeDtypeStruct((B, SORT), jnp.float32),
            jax.ShapeDtypeStruct((SORT, B), jnp.float32),
        ],
        scratch_shapes=[pltpu.VMEM((2 * ED + D, SORT), jnp.bfloat16)],
        compiler_params=pltpu.CompilerParams(
            dimension_semantics=("arbitrary",)),
    )(xs, noise, table, W_sort, b_sort.reshape(1, SORT))

    sc = pl.kernel(
        _body_sc,
        out_type=jax.ShapeDtypeStruct((B,), jnp.int32),
        mesh=plsc.VectorSubcoreMesh(core_axis_name="c", subcore_axis_name="s"),
        scratch_types=[
            pltpu.VMEM((SORT * RW,), jnp.float32),
            pltpu.VMEM((RW,), jnp.int32),
        ],
    )
    sort = sc(scores.reshape(SORT * B))

    note = pl.pallas_call(
        _body_c,
        grid=grid,
        in_specs=[
            pl.BlockSpec((BLK, D), lambda i: (i, 0)),
            pl.BlockSpec((BLK, 1), lambda i: (i, 0)),
            pl.BlockSpec((VOCAB, ED), lambda i: (0, 0)),
            pl.BlockSpec((2 * ED + D + ED, D), lambda i: (0, 0)),
            pl.BlockSpec((1, D), lambda i: (0, 0)),
        ],
        out_specs=pl.BlockSpec((BLK, D), lambda i: (i, 0)),
        out_shape=jax.ShapeDtypeStruct((B, D), jnp.float32),
        scratch_shapes=[pltpu.VMEM((2 * ED + D + ED, D), jnp.bfloat16)],
        compiler_params=pltpu.CompilerParams(
            dimension_semantics=("arbitrary",)),
    )(xs, sort.reshape(B, 1), table, W_note, b_note.reshape(1, D))

    return note, sort, prob

# --- scband reference (transcript-rebuilt; emitter-appended) ---
"""Pipeline reference for scband-generator-61744449847732 (READ-ONLY COPY).

The authoritative reference and input builder live on the scoring server;
editing this copy changes nothing except your own understanding.
"""

import jax, jax.numpy as jnp
import numpy as np

B = 4096
D = 1024          # latent_vector_dim
ED = 8            # embed_dim (fixed in __init__)
VOCAB = 100       # embed_dict_size (fixed)
SORT = 15         # sort_num (fixed)
HIDDEN = 2 * ED + D


def setup_inputs(seed: int = 0) -> dict:
    key = jax.random.key(seed)
    ks = jax.random.split(key, 9)
    xs = jax.random.normal(ks[0], (B, D), dtype=jnp.float32)
    # uniform noise in (0,1) used for Gumbel-max categorical sampling
    noise = jax.random.uniform(ks[1], (B, SORT), dtype=jnp.float32, minval=1e-6, maxval=1.0 - 1e-6)
    table = jax.random.normal(ks[2], (VOCAB, ED), dtype=jnp.float32) * 0.02
    W_mask = jax.random.normal(ks[3], (ED + D, ED), dtype=jnp.float32) * 0.02
    b_mask = jnp.zeros((ED,), dtype=jnp.float32)
    W_sort = jax.random.normal(ks[4], (HIDDEN, SORT), dtype=jnp.float32) * 0.02
    b_sort = jnp.zeros((SORT,), dtype=jnp.float32)
    W_note = jax.random.normal(ks[5], (HIDDEN + ED, D), dtype=jnp.float32) * 0.02
    b_note = jnp.zeros((D,), dtype=jnp.float32)
    return {"xs": xs, "noise": noise, "table": table,
            "W_mask": W_mask, "b_mask": b_mask,
            "W_sort": W_sort, "b_sort": b_sort,
            "W_note": W_note, "b_note": b_note}


def reference(xs, noise, table, W_mask, b_mask, W_sort, b_sort, W_note, b_note):
    # Batched single step of Generator.next_node starting from the <root> node
    # with an empty sibling list (the state of every generation rollout at step 0).
    Bn = xs.shape[0]
    # parent = embedding(<root> token index = 1)
    parent = jnp.broadcast_to(table[1], (Bn, table.shape[1]))
    # sibling_mask = Linear(embed_dim + latent_dim -> embed_dim)
    mask = jnp.concatenate([parent, xs], axis=1) @ W_mask + b_mask
    # sibling_sum with empty sibling list -> zeros(1, embed_dim) per row
    sibling_sum = jnp.zeros_like(mask)
    hidden = jnp.concatenate([parent, sibling_sum, xs], axis=1)  # [B, 2*ED + D]
    # predict_sort = Linear + Softmax
    sort_prob = jax.nn.softmax(hidden @ W_sort + b_sort, axis=-1)  # [B, SORT]
    # Categorical(sort_prob).sample() via Gumbel-max on log-probs
    gumbel = -jnp.log(-jnp.log(noise))
    sort = jnp.argmax(jnp.log(sort_prob) + gumbel, axis=-1)  # int [B]
    # note = predict_note(cat([hidden, embedding(sort)]))
    emb = jnp.take(table, sort, axis=0)  # [B, ED] embedding gather
    note = jnp.concatenate([hidden, emb], axis=1) @ W_note + b_note  # [B, D]
    return note, sort, sort_prob

if __name__ == "__main__":
    import jax
    _d = setup_inputs()
    print(jax.jit(kernel)(*tuple(_d.values())))

</pallas_src>

<mosaic_0001>
#map = affine_map<(d0, d1) -> (0)>
module attributes {stable_mosaic.version = 14 : i64} {
  func.func @_body_sc(%arg0: i32, %arg1: i32, %arg2: memref<61440xf32, #tpu.memory_space<hbm>>, %arg3: memref<4096xi32, #tpu.memory_space<hbm>>, %arg4: memref<1920xf32, #tpu.memory_space<vmem>>, %arg5: memref<128xi32, #tpu.memory_space<vmem>>) attributes {dimension_semantics = [#tpu.dimension_semantics<core_parallel>, #tpu.dimension_semantics<subcore_parallel>], iteration_bounds = array<i64: 2, 16>, scalar_prefetch = 0 : i64, scratch_operands = 2 : i64, tpu.core_type = #tpu.core_type<sc_vector_subcore>, window_params = [{transform_indices = #map}, {transform_indices = #map}]} {
    %mul3A = arith.constant 2 : i32
    %mul3A_0 = arith.muli %arg1, %mul3A : i32
    %add3A = arith.addi %mul3A_0, %arg0 : i32
    %mul3A_1 = arith.constant 128 : i32
    %mul3A_2 = arith.muli %add3A, %mul3A_1 : i32
    %add3A_3 = arith.constant 0 : i32
    %add3A_4 = arith.addi %add3A_3, %mul3A_2 : i32
    "tpu.region"() ({
      %run_scoped3A = tpu.sem_alloc : memref<!tpu.dma_semaphore, #tpu.memory_space<semaphore_mem>>
      %dma_start3A = arith.constant 0 : i32
      %dma_start3A_38 = tpu.memref_slice %arg4[%dma_start3A] : memref<1920xf32, #tpu.memory_space<vmem>> -> memref<128xf32, #tpu.memory_space<vmem>>
      %dma_start3A_39 = tpu.memref_slice %arg2[%add3A_4] : memref<61440xf32, #tpu.memory_space<hbm>> -> memref<128xf32, #tpu.memory_space<hbm>>
      %dma_start3A_40 = arith.constant 0 : i32
      %dma_start3A_41 = tpu.memref_slice %arg4[%dma_start3A_40] : memref<1920xf32, #tpu.memory_space<vmem>> -> memref<128xf32, #tpu.memory_space<vmem>>
      %dma_start3A_42 = tpu.memref_slice %arg2[%add3A_4] : memref<61440xf32, #tpu.memory_space<hbm>> -> memref<128xf32, #tpu.memory_space<hbm>>
      tpu.enqueue_dma source(%dma_start3A_42 : memref<128xf32, #tpu.memory_space<hbm>>) target(%dma_start3A_41 : memref<128xf32, #tpu.memory_space<vmem>>) target_semaphore(%run_scoped3A : memref<!tpu.dma_semaphore, #tpu.memory_space<semaphore_mem>>)
      %dma_wait3A = arith.constant 0 : i32
      %dma_wait3A_43 = tpu.memref_slice %arg4[%dma_wait3A] : memref<1920xf32, #tpu.memory_space<vmem>> -> memref<128xf32, #tpu.memory_space<vmem>>
      %dma_wait3A_44 = tpu.memref_slice %arg2[%add3A_4] : memref<61440xf32, #tpu.memory_space<hbm>> -> memref<128xf32, #tpu.memory_space<hbm>>
      %dma_wait3A_45 = arith.constant 0 : i32
      %dma_wait3A_46 = tpu.memref_slice %arg4[%dma_wait3A_45] : memref<1920xf32, #tpu.memory_space<vmem>> -> memref<128xf32, #tpu.memory_space<vmem>>
      %dma_wait3A_47 = tpu.memref_slice %arg2[%add3A_4] : memref<61440xf32, #tpu.memory_space<hbm>> -> memref<128xf32, #tpu.memory_space<hbm>>
      tpu.wait_dma2 semaphore(%run_scoped3A : memref<!tpu.dma_semaphore, #tpu.memory_space<semaphore_mem>>) src(%dma_wait3A_47 : memref<128xf32, #tpu.memory_space<hbm>>) dst(%dma_wait3A_46 : memref<128xf32, #tpu.memory_space<vmem>>)
      tpu.yield
    }) : () -> ()
    %add3A_5 = arith.constant 4096 : i32
    %add3A_6 = arith.addi %add3A_5, %mul3A_2 : i32
    "tpu.region"() ({
      %run_scoped3A = tpu.sem_alloc : memref<!tpu.dma_semaphore, #tpu.memory_space<semaphore_mem>>
      %dma_start3A = arith.constant 128 : i32
      %dma_start3A_38 = tpu.memref_slice %arg4[%dma_start3A] : memref<1920xf32, #tpu.memory_space<vmem>> -> memref<128xf32, #tpu.memory_space<vmem>>
      %dma_start3A_39 = tpu.memref_slice %arg2[%add3A_6] : memref<61440xf32, #tpu.memory_space<hbm>> -> memref<128xf32, #tpu.memory_space<hbm>>
      %dma_start3A_40 = arith.constant 128 : i32
      %dma_start3A_41 = tpu.memref_slice %arg4[%dma_start3A_40] : memref<1920xf32, #tpu.memory_space<vmem>> -> memref<128xf32, #tpu.memory_space<vmem>>
      %dma_start3A_42 = tpu.memref_slice %arg2[%add3A_6] : memref<61440xf32, #tpu.memory_space<hbm>> -> memref<128xf32, #tpu.memory_space<hbm>>
      tpu.enqueue_dma source(%dma_start3A_42 : memref<128xf32, #tpu.memory_space<hbm>>) target(%dma_start3A_41 : memref<128xf32, #tpu.memory_space<vmem>>) target_semaphore(%run_scoped3A : memref<!tpu.dma_semaphore, #tpu.memory_space<semaphore_mem>>)
      %dma_wait3A = arith.constant 128 : i32
      %dma_wait3A_43 = tpu.memref_slice %arg4[%dma_wait3A] : memref<1920xf32, #tpu.memory_space<vmem>> -> memref<128xf32, #tpu.memory_space<vmem>>
      %dma_wait3A_44 = tpu.memref_slice %arg2[%add3A_6] : memref<61440xf32, #tpu.memory_space<hbm>> -> memref<128xf32, #tpu.memory_space<hbm>>
      %dma_wait3A_45 = arith.constant 128 : i32
      %dma_wait3A_46 = tpu.memref_slice %arg4[%dma_wait3A_45] : memref<1920xf32, #tpu.memory_space<vmem>> -> memref<128xf32, #tpu.memory_space<vmem>>
      %dma_wait3A_47 = tpu.memref_slice %arg2[%add3A_6] : memref<61440xf32, #tpu.memory_space<hbm>> -> memref<128xf32, #tpu.memory_space<hbm>>
      tpu.wait_dma2 semaphore(%run_scoped3A : memref<!tpu.dma_semaphore, #tpu.memory_space<semaphore_mem>>) src(%dma_wait3A_47 : memref<128xf32, #tpu.memory_space<hbm>>) dst(%dma_wait3A_46 : memref<128xf32, #tpu.memory_space<vmem>>)
      tpu.yield
    }) : () -> ()
    %add3A_7 = arith.constant 8192 : i32
    %add3A_8 = arith.addi %add3A_7, %mul3A_2 : i32
    "tpu.region"() ({
      %run_scoped3A = tpu.sem_alloc : memref<!tpu.dma_semaphore, #tpu.memory_space<semaphore_mem>>
      %dma_start3A = arith.constant 256 : i32
      %dma_start3A_38 = tpu.memref_slice %arg4[%dma_start3A] : memref<1920xf32, #tpu.memory_space<vmem>> -> memref<128xf32, #tpu.memory_space<vmem>>
      %dma_start3A_39 = tpu.memref_slice %arg2[%add3A_8] : memref<61440xf32, #tpu.memory_space<hbm>> -> memref<128xf32, #tpu.memory_space<hbm>>
      %dma_start3A_40 = arith.constant 256 : i32
      %dma_start3A_41 = tpu.memref_slice %arg4[%dma_start3A_40] : memref<1920xf32, #tpu.memory_space<vmem>> -> memref<128xf32, #tpu.memory_space<vmem>>
      %dma_start3A_42 = tpu.memref_slice %arg2[%add3A_8] : memref<61440xf32, #tpu.memory_space<hbm>> -> memref<128xf32, #tpu.memory_space<hbm>>
      tpu.enqueue_dma source(%dma_start3A_42 : memref<128xf32, #tpu.memory_space<hbm>>) target(%dma_start3A_41 : memref<128xf32, #tpu.memory_space<vmem>>) target_semaphore(%run_scoped3A : memref<!tpu.dma_semaphore, #tpu.memory_space<semaphore_mem>>)
      %dma_wait3A = arith.constant 256 : i32
      %dma_wait3A_43 = tpu.memref_slice %arg4[%dma_wait3A] : memref<1920xf32, #tpu.memory_space<vmem>> -> memref<128xf32, #tpu.memory_space<vmem>>
      %dma_wait3A_44 = tpu.memref_slice %arg2[%add3A_8] : memref<61440xf32, #tpu.memory_space<hbm>> -> memref<128xf32, #tpu.memory_space<hbm>>
      %dma_wait3A_45 = arith.constant 256 : i32
      %dma_wait3A_46 = tpu.memref_slice %arg4[%dma_wait3A_45] : memref<1920xf32, #tpu.memory_space<vmem>> -> memref<128xf32, #tpu.memory_space<vmem>>
      %dma_wait3A_47 = tpu.memref_slice %arg2[%add3A_8] : memref<61440xf32, #tpu.memory_space<hbm>> -> memref<128xf32, #tpu.memory_space<hbm>>
      tpu.wait_dma2 semaphore(%run_scoped3A : memref<!tpu.dma_semaphore, #tpu.memory_space<semaphore_mem>>) src(%dma_wait3A_47 : memref<128xf32, #tpu.memory_space<hbm>>) dst(%dma_wait3A_46 : memref<128xf32, #tpu.memory_space<vmem>>)
      tpu.yield
    }) : () -> ()
    %add3A_9 = arith.constant 12288 : i32
    %add3A_10 = arith.addi %add3A_9, %mul3A_2 : i32
    "tpu.region"() ({
      %run_scoped3A = tpu.sem_alloc : memref<!tpu.dma_semaphore, #tpu.memory_space<semaphore_mem>>
      %dma_start3A = arith.constant 384 : i32
      %dma_start3A_38 = tpu.memref_slice %arg4[%dma_start3A] : memref<1920xf32, #tpu.memory_space<vmem>> -> memref<128xf32, #tpu.memory_space<vmem>>
      %dma_start3A_39 = tpu.memref_slice %arg2[%add3A_10] : memref<61440xf32, #tpu.memory_space<hbm>> -> memref<128xf32, #tpu.memory_space<hbm>>
      %dma_start3A_40 = arith.constant 384 : i32
      %dma_start3A_41 = tpu.memref_slice %arg4[%dma_start3A_40] : memref<1920xf32, #tpu.memory_space<vmem>> -> memref<128xf32, #tpu.memory_space<vmem>>
      %dma_start3A_42 = tpu.memref_slice %arg2[%add3A_10] : memref<61440xf32, #tpu.memory_space<hbm>> -> memref<128xf32, #tpu.memory_space<hbm>>
      tpu.enqueue_dma source(%dma_start3A_42 : memref<128xf32, #tpu.memory_space<hbm>>) target(%dma_start3A_41 : memref<128xf32, #tpu.memory_space<vmem>>) target_semaphore(%run_scoped3A : memref<!tpu.dma_semaphore, #tpu.memory_space<semaphore_mem>>)
      %dma_wait3A = arith.constant 384 : i32
      %dma_wait3A_43 = tpu.memref_slice %arg4[%dma_wait3A] : memref<1920xf32, #tpu.memory_space<vmem>> -> memref<128xf32, #tpu.memory_space<vmem>>
      %dma_wait3A_44 = tpu.memref_slice %arg2[%add3A_10] : memref<61440xf32, #tpu.memory_space<hbm>> -> memref<128xf32, #tpu.memory_space<hbm>>
      %dma_wait3A_45 = arith.constant 384 : i32
      %dma_wait3A_46 = tpu.memref_slice %arg4[%dma_wait3A_45] : memref<1920xf32, #tpu.memory_space<vmem>> -> memref<128xf32, #tpu.memory_space<vmem>>
      %dma_wait3A_47 = tpu.memref_slice %arg2[%add3A_10] : memref<61440xf32, #tpu.memory_space<hbm>> -> memref<128xf32, #tpu.memory_space<hbm>>
      tpu.wait_dma2 semaphore(%run_scoped3A : memref<!tpu.dma_semaphore, #tpu.memory_space<semaphore_mem>>) src(%dma_wait3A_47 : memref<128xf32, #tpu.memory_space<hbm>>) dst(%dma_wait3A_46 : memref<128xf32, #tpu.memory_space<vmem>>)
      tpu.yield
    }) : () -> ()
    %add3A_11 = arith.constant 16384 : i32
    %add3A_12 = arith.addi %add3A_11, %mul3A_2 : i32
    "tpu.region"() ({
      %run_scoped3A = tpu.sem_alloc : memref<!tpu.dma_semaphore, #tpu.memory_space<semaphore_mem>>
      %dma_start3A = arith.constant 512 : i32
      %dma_start3A_38 = tpu.memref_slice %arg4[%dma_start3A] : memref<1920xf32, #tpu.memory_space<vmem>> -> memref<128xf32, #tpu.memory_space<vmem>>
      %dma_start3A_39 = tpu.memref_slice %arg2[%add3A_12] : memref<61440xf32, #tpu.memory_space<hbm>> -> memref<128xf32, #tpu.memory_space<hbm>>
      %dma_start3A_40 = arith.constant 512 : i32
      %dma_start3A_41 = tpu.memref_slice %arg4[%dma_start3A_40] : memref<1920xf32, #tpu.memory_space<vmem>> -> memref<128xf32, #tpu.memory_space<vmem>>
      %dma_start3A_42 = tpu.memref_slice %arg2[%add3A_12] : memref<61440xf32, #tpu.memory_space<hbm>> -> memref<128xf32, #tpu.memory_space<hbm>>
      tpu.enqueue_dma source(%dma_start3A_42 : memref<128xf32, #tpu.memory_space<hbm>>) target(%dma_start3A_41 : memref<128xf32, #tpu.memory_space<vmem>>) target_semaphore(%run_scoped3A : memref<!tpu.dma_semaphore, #tpu.memory_space<semaphore_mem>>)
      %dma_wait3A = arith.constant 512 : i32
      %dma_wait3A_43 = tpu.memref_slice %arg4[%dma_wait3A] : memref<1920xf32, #tpu.memory_space<vmem>> -> memref<128xf32, #tpu.memory_space<vmem>>
      %dma_wait3A_44 = tpu.memref_slice %arg2[%add3A_12] : memref<61440xf32, #tpu.memory_space<hbm>> -> memref<128xf32, #tpu.memory_space<hbm>>
      %dma_wait3A_45 = arith.constant 512 : i32
      %dma_wait3A_46 = tpu.memref_slice %arg4[%dma_wait3A_45] : memref<1920xf32, #tpu.memory_space<vmem>> -> memref<128xf32, #tpu.memory_space<vmem>>
      %dma_wait3A_47 = tpu.memref_slice %arg2[%add3A_12] : memref<61440xf32, #tpu.memory_space<hbm>> -> memref<128xf32, #tpu.memory_space<hbm>>
      tpu.wait_dma2 semaphore(%run_scoped3A : memref<!tpu.dma_semaphore, #tpu.memory_space<semaphore_mem>>) src(%dma_wait3A_47 : memref<128xf32, #tpu.memory_space<hbm>>) dst(%dma_wait3A_46 : memref<128xf32, #tpu.memory_space<vmem>>)
      tpu.yield
    }) : () -> ()
    %add3A_13 = arith.constant 20480 : i32
    %add3A_14 = arith.addi %add3A_13, %mul3A_2 : i32
    "tpu.region"() ({
      %run_scoped3A = tpu.sem_alloc : memref<!tpu.dma_semaphore, #tpu.memory_space<semaphore_mem>>
      %dma_start3A = arith.constant 640 : i32
      %dma_start3A_38 = tpu.memref_slice %arg4[%dma_start3A] : memref<1920xf32, #tpu.memory_space<vmem>> -> memref<128xf32, #tpu.memory_space<vmem>>
      %dma_start3A_39 = tpu.memref_slice %arg2[%add3A_14] : memref<61440xf32, #tpu.memory_space<hbm>> -> memref<128xf32, #tpu.memory_space<hbm>>
      %dma_start3A_40 = arith.constant 640 : i32
      %dma_start3A_41 = tpu.memref_slice %arg4[%dma_start3A_40] : memref<1920xf32, #tpu.memory_space<vmem>> -> memref<128xf32, #tpu.memory_space<vmem>>
      %dma_start3A_42 = tpu.memref_slice %arg2[%add3A_14] : memref<61440xf32, #tpu.memory_space<hbm>> -> memref<128xf32, #tpu.memory_space<hbm>>
      tpu.enqueue_dma source(%dma_start3A_42 : memref<128xf32, #tpu.memory_space<hbm>>) target(%dma_start3A_41 : memref<128xf32, #tpu.memory_space<vmem>>) target_semaphore(%run_scoped3A : memref<!tpu.dma_semaphore, #tpu.memory_space<semaphore_mem>>)
      %dma_wait3A = arith.constant 640 : i32
      %dma_wait3A_43 = tpu.memref_slice %arg4[%dma_wait3A] : memref<1920xf32, #tpu.memory_space<vmem>> -> memref<128xf32, #tpu.memory_space<vmem>>
      %dma_wait3A_44 = tpu.memref_slice %arg2[%add3A_14] : memref<61440xf32, #tpu.memory_space<hbm>> -> memref<128xf32, #tpu.memory_space<hbm>>
      %dma_wait3A_45 = arith.constant 640 : i32
      %dma_wait3A_46 = tpu.memref_slice %arg4[%dma_wait3A_45] : memref<1920xf32, #tpu.memory_space<vmem>> -> memref<128xf32, #tpu.memory_space<vmem>>
      %dma_wait3A_47 = tpu.memref_slice %arg2[%add3A_14] : memref<61440xf32, #tpu.memory_space<hbm>> -> memref<128xf32, #tpu.memory_space<hbm>>
      tpu.wait_dma2 semaphore(%run_scoped3A : memref<!tpu.dma_semaphore, #tpu.memory_space<semaphore_mem>>) src(%dma_wait3A_47 : memref<128xf32, #tpu.memory_space<hbm>>) dst(%dma_wait3A_46 : memref<128xf32, #tpu.memory_space<vmem>>)
      tpu.yield
    }) : () -> ()
    %add3A_15 = arith.constant 24576 : i32
    %add3A_16 = arith.addi %add3A_15, %mul3A_2 : i32
    "tpu.region"() ({
      %run_scoped3A = tpu.sem_alloc : memref<!tpu.dma_semaphore, #tpu.memory_space<semaphore_mem>>
      %dma_start3A = arith.constant 768 : i32
      %dma_start3A_38 = tpu.memref_slice %arg4[%dma_start3A] : memref<1920xf32, #tpu.memory_space<vmem>> -> memref<128xf32, #tpu.memory_space<vmem>>
      %dma_start3A_39 = tpu.memref_slice %arg2[%add3A_16] : memref<61440xf32, #tpu.memory_space<hbm>> -> memref<128xf32, #tpu.memory_space<hbm>>
      %dma_start3A_40 = arith.constant 768 : i32
      %dma_start3A_41 = tpu.memref_slice %arg4[%dma_start3A_40] : memref<1920xf32, #tpu.memory_space<vmem>> -> memref<128xf32, #tpu.memory_space<vmem>>
      %dma_start3A_42 = tpu.memref_slice %arg2[%add3A_16] : memref<61440xf32, #tpu.memory_space<hbm>> -> memref<128xf32, #tpu.memory_space<hbm>>
      tpu.enqueue_dma source(%dma_start3A_42 : memref<128xf32, #tpu.memory_space<hbm>>) target(%dma_start3A_41 : memref<128xf32, #tpu.memory_space<vmem>>) target_semaphore(%run_scoped3A : memref<!tpu.dma_semaphore, #tpu.memory_space<semaphore_mem>>)
      %dma_wait3A = arith.constant 768 : i32
      %dma_wait3A_43 = tpu.memref_slice %arg4[%dma_wait3A] : memref<1920xf32, #tpu.memory_space<vmem>> -> memref<128xf32, #tpu.memory_space<vmem>>
      %dma_wait3A_44 = tpu.memref_slice %arg2[%add3A_16] : memref<61440xf32, #tpu.memory_space<hbm>> -> memref<128xf32, #tpu.memory_space<hbm>>
      %dma_wait3A_45 = arith.constant 768 : i32
      %dma_wait3A_46 = tpu.memref_slice %arg4[%dma_wait3A_45] : memref<1920xf32, #tpu.memory_space<vmem>> -> memref<128xf32, #tpu.memory_space<vmem>>
      %dma_wait3A_47 = tpu.memref_slice %arg2[%add3A_16] : memref<61440xf32, #tpu.memory_space<hbm>> -> memref<128xf32, #tpu.memory_space<hbm>>
      tpu.wait_dma2 semaphore(%run_scoped3A : memref<!tpu.dma_semaphore, #tpu.memory_space<semaphore_mem>>) src(%dma_wait3A_47 : memref<128xf32, #tpu.memory_space<hbm>>) dst(%dma_wait3A_46 : memref<128xf32, #tpu.memory_space<vmem>>)
      tpu.yield
    }) : () -> ()
    %add3A_17 = arith.constant 28672 : i32
    %add3A_18 = arith.addi %add3A_17, %mul3A_2 : i32
    "tpu.region"() ({
      %run_scoped3A = tpu.sem_alloc : memref<!tpu.dma_semaphore, #tpu.memory_space<semaphore_mem>>
      %dma_start3A = arith.constant 896 : i32
      %dma_start3A_38 = tpu.memref_slice %arg4[%dma_start3A] : memref<1920xf32, #tpu.memory_space<vmem>> -> memref<128xf32, #tpu.memory_space<vmem>>
      %dma_start3A_39 = tpu.memref_slice %arg2[%add3A_18] : memref<61440xf32, #tpu.memory_space<hbm>> -> memref<128xf32, #tpu.memory_space<hbm>>
      %dma_start3A_40 = arith.constant 896 : i32
      %dma_start3A_41 = tpu.memref_slice %arg4[%dma_start3A_40] : memref<1920xf32, #tpu.memory_space<vmem>> -> memref<128xf32, #tpu.memory_space<vmem>>
      %dma_start3A_42 = tpu.memref_slice %arg2[%add3A_18] : memref<61440xf32, #tpu.memory_space<hbm>> -> memref<128xf32, #tpu.memory_space<hbm>>
      tpu.enqueue_dma source(%dma_start3A_42 : memref<128xf32, #tpu.memory_space<hbm>>) target(%dma_start3A_41 : memref<128xf32, #tpu.memory_space<vmem>>) target_semaphore(%run_scoped3A : memref<!tpu.dma_semaphore, #tpu.memory_space<semaphore_mem>>)
      %dma_wait3A = arith.constant 896 : i32
      %dma_wait3A_43 = tpu.memref_slice %arg4[%dma_wait3A] : memref<1920xf32, #tpu.memory_space<vmem>> -> memref<128xf32, #tpu.memory_space<vmem>>
      %dma_wait3A_44 = tpu.memref_slice %arg2[%add3A_18] : memref<61440xf32, #tpu.memory_space<hbm>> -> memref<128xf32, #tpu.memory_space<hbm>>
      %dma_wait3A_45 = arith.constant 896 : i32
      %dma_wait3A_46 = tpu.memref_slice %arg4[%dma_wait3A_45] : memref<1920xf32, #tpu.memory_space<vmem>> -> memref<128xf32, #tpu.memory_space<vmem>>
      %dma_wait3A_47 = tpu.memref_slice %arg2[%add3A_18] : memref<61440xf32, #tpu.memory_space<hbm>> -> memref<128xf32, #tpu.memory_space<hbm>>
      tpu.wait_dma2 semaphore(%run_scoped3A : memref<!tpu.dma_semaphore, #tpu.memory_space<semaphore_mem>>) src(%dma_wait3A_47 : memref<128xf32, #tpu.memory_space<hbm>>) dst(%dma_wait3A_46 : memref<128xf32, #tpu.memory_space<vmem>>)
      tpu.yield
    }) : () -> ()
    %add3A_19 = arith.constant 32768 : i32
    %add3A_20 = arith.addi %add3A_19, %mul3A_2 : i32
    "tpu.region"() ({
      %run_scoped3A = tpu.sem_alloc : memref<!tpu.dma_semaphore, #tpu.memory_space<semaphore_mem>>
      %dma_start3A = arith.constant 1024 : i32
      %dma_start3A_38 = tpu.memref_slice %arg4[%dma_start3A] : memref<1920xf32, #tpu.memory_space<vmem>> -> memref<128xf32, #tpu.memory_space<vmem>>
      %dma_start3A_39 = tpu.memref_slice %arg2[%add3A_20] : memref<61440xf32, #tpu.memory_space<hbm>> -> memref<128xf32, #tpu.memory_space<hbm>>
      %dma_start3A_40 = arith.constant 1024 : i32
      %dma_start3A_41 = tpu.memref_slice %arg4[%dma_start3A_40] : memref<1920xf32, #tpu.memory_space<vmem>> -> memref<128xf32, #tpu.memory_space<vmem>>
      %dma_start3A_42 = tpu.memref_slice %arg2[%add3A_20] : memref<61440xf32, #tpu.memory_space<hbm>> -> memref<128xf32, #tpu.memory_space<hbm>>
      tpu.enqueue_dma source(%dma_start3A_42 : memref<128xf32, #tpu.memory_space<hbm>>) target(%dma_start3A_41 : memref<128xf32, #tpu.memory_space<vmem>>) target_semaphore(%run_scoped3A : memref<!tpu.dma_semaphore, #tpu.memory_space<semaphore_mem>>)
      %dma_wait3A = arith.constant 1024 : i32
      %dma_wait3A_43 = tpu.memref_slice %arg4[%dma_wait3A] : memref<1920xf32, #tpu.memory_space<vmem>> -> memref<128xf32, #tpu.memory_space<vmem>>
      %dma_wait3A_44 = tpu.memref_slice %arg2[%add3A_20] : memref<61440xf32, #tpu.memory_space<hbm>> -> memref<128xf32, #tpu.memory_space<hbm>>
      %dma_wait3A_45 = arith.constant 1024 : i32
      %dma_wait3A_46 = tpu.memref_slice %arg4[%dma_wait3A_45] : memref<1920xf32, #tpu.memory_space<vmem>> -> memref<128xf32, #tpu.memory_space<vmem>>
      %dma_wait3A_47 = tpu.memref_slice %arg2[%add3A_20] : memref<61440xf32, #tpu.memory_space<hbm>> -> memref<128xf32, #tpu.memory_space<hbm>>
      tpu.wait_dma2 semaphore(%run_scoped3A : memref<!tpu.dma_semaphore, #tpu.memory_space<semaphore_mem>>) src(%dma_wait3A_47 : memref<128xf32, #tpu.memory_space<hbm>>) dst(%dma_wait3A_46 : memref<128xf32, #tpu.memory_space<vmem>>)
      tpu.yield
    }) : () -> ()
    %add3A_21 = arith.constant 36864 : i32
    %add3A_22 = arith.addi %add3A_21, %mul3A_2 : i32
    "tpu.region"() ({
      %run_scoped3A = tpu.sem_alloc : memref<!tpu.dma_semaphore, #tpu.memory_space<semaphore_mem>>
      %dma_start3A = arith.constant 1152 : i32
      %dma_start3A_38 = tpu.memref_slice %arg4[%dma_start3A] : memref<1920xf32, #tpu.memory_space<vmem>> -> memref<128xf32, #tpu.memory_space<vmem>>
      %dma_start3A_39 = tpu.memref_slice %arg2[%add3A_22] : memref<61440xf32, #tpu.memory_space<hbm>> -> memref<128xf32, #tpu.memory_space<hbm>>
      %dma_start3A_40 = arith.constant 1152 : i32
      %dma_start3A_41 = tpu.memref_slice %arg4[%dma_start3A_40] : memref<1920xf32, #tpu.memory_space<vmem>> -> memref<128xf32, #tpu.memory_space<vmem>>
      %dma_start3A_42 = tpu.memref_slice %arg2[%add3A_22] : memref<61440xf32, #tpu.memory_space<hbm>> -> memref<128xf32, #tpu.memory_space<hbm>>
      tpu.enqueue_dma source(%dma_start3A_42 : memref<128xf32, #tpu.memory_space<hbm>>) target(%dma_start3A_41 : memref<128xf32, #tpu.memory_space<vmem>>) target_semaphore(%run_scoped3A : memref<!tpu.dma_semaphore, #tpu.memory_space<semaphore_mem>>)
      %dma_wait3A = arith.constant 1152 : i32
      %dma_wait3A_43 = tpu.memref_slice %arg4[%dma_wait3A] : memref<1920xf32, #tpu.memory_space<vmem>> -> memref<128xf32, #tpu.memory_space<vmem>>
      %dma_wait3A_44 = tpu.memref_slice %arg2[%add3A_22] : memref<61440xf32, #tpu.memory_space<hbm>> -> memref<128xf32, #tpu.memory_space<hbm>>
      %dma_wait3A_45 = arith.constant 1152 : i32
      %dma_wait3A_46 = tpu.memref_slice %arg4[%dma_wait3A_45] : memref<1920xf32, #tpu.memory_space<vmem>> -> memref<128xf32, #tpu.memory_space<vmem>>
      %dma_wait3A_47 = tpu.memref_slice %arg2[%add3A_22] : memref<61440xf32, #tpu.memory_space<hbm>> -> memref<128xf32, #tpu.memory_space<hbm>>
      tpu.wait_dma2 semaphore(%run_scoped3A : memref<!tpu.dma_semaphore, #tpu.memory_space<semaphore_mem>>) src(%dma_wait3A_47 : memref<128xf32, #tpu.memory_space<hbm>>) dst(%dma_wait3A_46 : memref<128xf32, #tpu.memory_space<vmem>>)
      tpu.yield
    }) : () -> ()
    %add3A_23 = arith.constant 40960 : i32
    %add3A_24 = arith.addi %add3A_23, %mul3A_2 : i32
    "tpu.region"() ({
      %run_scoped3A = tpu.sem_alloc : memref<!tpu.dma_semaphore, #tpu.memory_space<semaphore_mem>>
      %dma_start3A = arith.constant 1280 : i32
      %dma_start3A_38 = tpu.memref_slice %arg4[%dma_start3A] : memref<1920xf32, #tpu.memory_space<vmem>> -> memref<128xf32, #tpu.memory_space<vmem>>
      %dma_start3A_39 = tpu.memref_slice %arg2[%add3A_24] : memref<61440xf32, #tpu.memory_space<hbm>> -> memref<128xf32, #tpu.memory_space<hbm>>
      %dma_start3A_40 = arith.constant 1280 : i32
      %dma_start3A_41 = tpu.memref_slice %arg4[%dma_start3A_40] : memref<1920xf32, #tpu.memory_space<vmem>> -> memref<128xf32, #tpu.memory_space<vmem>>
      %dma_start3A_42 = tpu.memref_slice %arg2[%add3A_24] : memref<61440xf32, #tpu.memory_space<hbm>> -> memref<128xf32, #tpu.memory_space<hbm>>
      tpu.enqueue_dma source(%dma_start3A_42 : memref<128xf32, #tpu.memory_space<hbm>>) target(%dma_start3A_41 : memref<128xf32, #tpu.memory_space<vmem>>) target_semaphore(%run_scoped3A : memref<!tpu.dma_semaphore, #tpu.memory_space<semaphore_mem>>)
      %dma_wait3A = arith.constant 1280 : i32
      %dma_wait3A_43 = tpu.memref_slice %arg4[%dma_wait3A] : memref<1920xf32, #tpu.memory_space<vmem>> -> memref<128xf32, #tpu.memory_space<vmem>>
      %dma_wait3A_44 = tpu.memref_slice %arg2[%add3A_24] : memref<61440xf32, #tpu.memory_space<hbm>> -> memref<128xf32, #tpu.memory_space<hbm>>
      %dma_wait3A_45 = arith.constant 1280 : i32
      %dma_wait3A_46 = tpu.memref_slice %arg4[%dma_wait3A_45] : memref<1920xf32, #tpu.memory_space<vmem>> -> memref<128xf32, #tpu.memory_space<vmem>>
      %dma_wait3A_47 = tpu.memref_slice %arg2[%add3A_24] : memref<61440xf32, #tpu.memory_space<hbm>> -> memref<128xf32, #tpu.memory_space<hbm>>
      tpu.wait_dma2 semaphore(%run_scoped3A : memref<!tpu.dma_semaphore, #tpu.memory_space<semaphore_mem>>) src(%dma_wait3A_47 : memref<128xf32, #tpu.memory_space<hbm>>) dst(%dma_wait3A_46 : memref<128xf32, #tpu.memory_space<vmem>>)
      tpu.yield
    }) : () -> ()
    %add3A_25 = arith.constant 45056 : i32
    %add3A_26 = arith.addi %add3A_25, %mul3A_2 : i32
    "tpu.region"() ({
      %run_scoped3A = tpu.sem_alloc : memref<!tpu.dma_semaphore, #tpu.memory_space<semaphore_mem>>
      %dma_start3A = arith.constant 1408 : i32
      %dma_start3A_38 = tpu.memref_slice %arg4[%dma_start3A] : memref<1920xf32, #tpu.memory_space<vmem>> -> memref<128xf32, #tpu.memory_space<vmem>>
      %dma_start3A_39 = tpu.memref_slice %arg2[%add3A_26] : memref<61440xf32, #tpu.memory_space<hbm>> -> memref<128xf32, #tpu.memory_space<hbm>>
      %dma_start3A_40 = arith.constant 1408 : i32
      %dma_start3A_41 = tpu.memref_slice %arg4[%dma_start3A_40] : memref<1920xf32, #tpu.memory_space<vmem>> -> memref<128xf32, #tpu.memory_space<vmem>>
      %dma_start3A_42 = tpu.memref_slice %arg2[%add3A_26] : memref<61440xf32, #tpu.memory_space<hbm>> -> memref<128xf32, #tpu.memory_space<hbm>>
      tpu.enqueue_dma source(%dma_start3A_42 : memref<128xf32, #tpu.memory_space<hbm>>) target(%dma_start3A_41 : memref<128xf32, #tpu.memory_space<vmem>>) target_semaphore(%run_scoped3A : memref<!tpu.dma_semaphore, #tpu.memory_space<semaphore_mem>>)
      %dma_wait3A = arith.constant 1408 : i32
      %dma_wait3A_43 = tpu.memref_slice %arg4[%dma_wait3A] : memref<1920xf32, #tpu.memory_space<vmem>> -> memref<128xf32, #tpu.memory_space<vmem>>
      %dma_wait3A_44 = tpu.memref_slice %arg2[%add3A_26] : memref<61440xf32, #tpu.memory_space<hbm>> -> memref<128xf32, #tpu.memory_space<hbm>>
      %dma_wait3A_45 = arith.constant 1408 : i32
      %dma_wait3A_46 = tpu.memref_slice %arg4[%dma_wait3A_45] : memref<1920xf32, #tpu.memory_space<vmem>> -> memref<128xf32, #tpu.memory_space<vmem>>
      %dma_wait3A_47 = tpu.memref_slice %arg2[%add3A_26] : memref<61440xf32, #tpu.memory_space<hbm>> -> memref<128xf32, #tpu.memory_space<hbm>>
      tpu.wait_dma2 semaphore(%run_scoped3A : memref<!tpu.dma_semaphore, #tpu.memory_space<semaphore_mem>>) src(%dma_wait3A_47 : memref<128xf32, #tpu.memory_space<hbm>>) dst(%dma_wait3A_46 : memref<128xf32, #tpu.memory_space<vmem>>)
      tpu.yield
    }) : () -> ()
    %add3A_27 = arith.constant 49152 : i32
    %add3A_28 = arith.addi %add3A_27, %mul3A_2 : i32
    "tpu.region"() ({
      %run_scoped3A = tpu.sem_alloc : memref<!tpu.dma_semaphore, #tpu.memory_space<semaphore_mem>>
      %dma_start3A = arith.constant 1536 : i32
      %dma_start3A_38 = tpu.memref_slice %arg4[%dma_start3A] : memref<1920xf32, #tpu.memory_space<vmem>> -> memref<128xf32, #tpu.memory_space<vmem>>
      %dma_start3A_39 = tpu.memref_slice %arg2[%add3A_28] : memref<61440xf32, #tpu.memory_space<hbm>> -> memref<128xf32, #tpu.memory_space<hbm>>
      %dma_start3A_40 = arith.constant 1536 : i32
      %dma_start3A_41 = tpu.memref_slice %arg4[%dma_start3A_40] : memref<1920xf32, #tpu.memory_space<vmem>> -> memref<128xf32, #tpu.memory_space<vmem>>
      %dma_start3A_42 = tpu.memref_slice %arg2[%add3A_28] : memref<61440xf32, #tpu.memory_space<hbm>> -> memref<128xf32, #tpu.memory_space<hbm>>
      tpu.enqueue_dma source(%dma_start3A_42 : memref<128xf32, #tpu.memory_space<hbm>>) target(%dma_start3A_41 : memref<128xf32, #tpu.memory_space<vmem>>) target_semaphore(%run_scoped3A : memref<!tpu.dma_semaphore, #tpu.memory_space<semaphore_mem>>)
      %dma_wait3A = arith.constant 1536 : i32
      %dma_wait3A_43 = tpu.memref_slice %arg4[%dma_wait3A] : memref<1920xf32, #tpu.memory_space<vmem>> -> memref<128xf32, #tpu.memory_space<vmem>>
      %dma_wait3A_44 = tpu.memref_slice %arg2[%add3A_28] : memref<61440xf32, #tpu.memory_space<hbm>> -> memref<128xf32, #tpu.memory_space<hbm>>
      %dma_wait3A_45 = arith.constant 1536 : i32
      %dma_wait3A_46 = tpu.memref_slice %arg4[%dma_wait3A_45] : memref<1920xf32, #tpu.memory_space<vmem>> -> memref<128xf32, #tpu.memory_space<vmem>>
      %dma_wait3A_47 = tpu.memref_slice %arg2[%add3A_28] : memref<61440xf32, #tpu.memory_space<hbm>> -> memref<128xf32, #tpu.memory_space<hbm>>
      tpu.wait_dma2 semaphore(%run_scoped3A : memref<!tpu.dma_semaphore, #tpu.memory_space<semaphore_mem>>) src(%dma_wait3A_47 : memref<128xf32, #tpu.memory_space<hbm>>) dst(%dma_wait3A_46 : memref<128xf32, #tpu.memory_space<vmem>>)
      tpu.yield
    }) : () -> ()
    %add3A_29 = arith.constant 53248 : i32
    %add3A_30 = arith.addi %add3A_29, %mul3A_2 : i32
    "tpu.region"() ({
      %run_scoped3A = tpu.sem_alloc : memref<!tpu.dma_semaphore, #tpu.memory_space<semaphore_mem>>
      %dma_start3A = arith.constant 1664 : i32
      %dma_start3A_38 = tpu.memref_slice %arg4[%dma_start3A] : memref<1920xf32, #tpu.memory_space<vmem>> -> memref<128xf32, #tpu.memory_space<vmem>>
      %dma_start3A_39 = tpu.memref_slice %arg2[%add3A_30] : memref<61440xf32, #tpu.memory_space<hbm>> -> memref<128xf32, #tpu.memory_space<hbm>>
      %dma_start3A_40 = arith.constant 1664 : i32
      %dma_start3A_41 = tpu.memref_slice %arg4[%dma_start3A_40] : memref<1920xf32, #tpu.memory_space<vmem>> -> memref<128xf32, #tpu.memory_space<vmem>>
      %dma_start3A_42 = tpu.memref_slice %arg2[%add3A_30] : memref<61440xf32, #tpu.memory_space<hbm>> -> memref<128xf32, #tpu.memory_space<hbm>>
      tpu.enqueue_dma source(%dma_start3A_42 : memref<128xf32, #tpu.memory_space<hbm>>) target(%dma_start3A_41 : memref<128xf32, #tpu.memory_space<vmem>>) target_semaphore(%run_scoped3A : memref<!tpu.dma_semaphore, #tpu.memory_space<semaphore_mem>>)
      %dma_wait3A = arith.constant 1664 : i32
      %dma_wait3A_43 = tpu.memref_slice %arg4[%dma_wait3A] : memref<1920xf32, #tpu.memory_space<vmem>> -> memref<128xf32, #tpu.memory_space<vmem>>
      %dma_wait3A_44 = tpu.memref_slice %arg2[%add3A_30] : memref<61440xf32, #tpu.memory_space<hbm>> -> memref<128xf32, #tpu.memory_space<hbm>>
      %dma_wait3A_45 = arith.constant 1664 : i32
      %dma_wait3A_46 = tpu.memref_slice %arg4[%dma_wait3A_45] : memref<1920xf32, #tpu.memory_space<vmem>> -> memref<128xf32, #tpu.memory_space<vmem>>
      %dma_wait3A_47 = tpu.memref_slice %arg2[%add3A_30] : memref<61440xf32, #tpu.memory_space<hbm>> -> memref<128xf32, #tpu.memory_space<hbm>>
      tpu.wait_dma2 semaphore(%run_scoped3A : memref<!tpu.dma_semaphore, #tpu.memory_space<semaphore_mem>>) src(%dma_wait3A_47 : memref<128xf32, #tpu.memory_space<hbm>>) dst(%dma_wait3A_46 : memref<128xf32, #tpu.memory_space<vmem>>)
      tpu.yield
    }) : () -> ()
    %add3A_31 = arith.constant 57344 : i32
    %add3A_32 = arith.addi %add3A_31, %mul3A_2 : i32
    "tpu.region"() ({
      %run_scoped3A = tpu.sem_alloc : memref<!tpu.dma_semaphore, #tpu.memory_space<semaphore_mem>>
      %dma_start3A = arith.constant 1792 : i32
      %dma_start3A_38 = tpu.memref_slice %arg4[%dma_start3A] : memref<1920xf32, #tpu.memory_space<vmem>> -> memref<128xf32, #tpu.memory_space<vmem>>
      %dma_start3A_39 = tpu.memref_slice %arg2[%add3A_32] : memref<61440xf32, #tpu.memory_space<hbm>> -> memref<128xf32, #tpu.memory_space<hbm>>
      %dma_start3A_40 = arith.constant 1792 : i32
      %dma_start3A_41 = tpu.memref_slice %arg4[%dma_start3A_40] : memref<1920xf32, #tpu.memory_space<vmem>> -> memref<128xf32, #tpu.memory_space<vmem>>
      %dma_start3A_42 = tpu.memref_slice %arg2[%add3A_32] : memref<61440xf32, #tpu.memory_space<hbm>> -> memref<128xf32, #tpu.memory_space<hbm>>
      tpu.enqueue_dma source(%dma_start3A_42 : memref<128xf32, #tpu.memory_space<hbm>>) target(%dma_start3A_41 : memref<128xf32, #tpu.memory_space<vmem>>) target_semaphore(%run_scoped3A : memref<!tpu.dma_semaphore, #tpu.memory_space<semaphore_mem>>)
      %dma_wait3A = arith.constant 1792 : i32
      %dma_wait3A_43 = tpu.memref_slice %arg4[%dma_wait3A] : memref<1920xf32, #tpu.memory_space<vmem>> -> memref<128xf32, #tpu.memory_space<vmem>>
      %dma_wait3A_44 = tpu.memref_slice %arg2[%add3A_32] : memref<61440xf32, #tpu.memory_space<hbm>> -> memref<128xf32, #tpu.memory_space<hbm>>
      %dma_wait3A_45 = arith.constant 1792 : i32
      %dma_wait3A_46 = tpu.memref_slice %arg4[%dma_wait3A_45] : memref<1920xf32, #tpu.memory_space<vmem>> -> memref<128xf32, #tpu.memory_space<vmem>>
      %dma_wait3A_47 = tpu.memref_slice %arg2[%add3A_32] : memref<61440xf32, #tpu.memory_space<hbm>> -> memref<128xf32, #tpu.memory_space<hbm>>
      tpu.wait_dma2 semaphore(%run_scoped3A : memref<!tpu.dma_semaphore, #tpu.memory_space<semaphore_mem>>) src(%dma_wait3A_47 : memref<128xf32, #tpu.memory_space<hbm>>) dst(%dma_wait3A_46 : memref<128xf32, #tpu.memory_space<vmem>>)
      tpu.yield
    }) : () -> ()
    %scan3A = arith.constant 0 : i32
    %scan3A_33 = arith.constant 0 : i32
    %scan3A_34 = arith.constant 8 : i32
    %scan3A_35 = arith.addi %scan3A_33, %scan3A_34 : i32
    %scan3A_36 = arith.constant 1 : i32
    scf.for %scan3A_38 = %scan3A_33 to %scan3A_35 step %scan3A_36  : i32 {
      %mul3A_39 = arith.constant 16 : i32
      %mul3A_40 = arith.muli %scan3A_38, %mul3A_39 : i32
      %multiple_of3A = tpu.assume_multiple %mul3A_40, 16 : i32
      %get3A = arith.index_cast %multiple_of3A : i32 to index
      %get3A_41 = tpu.vector_load %arg4[%get3A] {strides = array<i32>} : memref<1920xf32, #tpu.memory_space<vmem>>, vector<16xf32>,
      %get3A_42 = vector.shape_cast %get3A_41 : vector<16xf32> to vector<16xf32>
      %broadcast_in_dim3A = arith.constant 0 : i32
      %broadcast_in_dim3A_43 = vector.broadcast %broadcast_in_dim3A : i32 to vector<16xi32>
      %add3A_44 = arith.constant 128 : i32
      %add3A_45 = arith.addi %add3A_44, %multiple_of3A : i32
      %get3A_46 = arith.index_cast %add3A_45 : i32 to index
      %get3A_47 = tpu.vector_load %arg4[%get3A_46] {strides = array<i32>} : memref<1920xf32, #tpu.memory_space<vmem>>, vector<16xf32>,
      %get3A_48 = vector.shape_cast %get3A_47 : vector<16xf32> to vector<16xf32>
      %gt3A = arith.cmpf ogt, %get3A_48, %get3A_42 : vector<16xf32>
      %jit3A = arith.constant 1 : i32
      %broadcast_in_dim3A_49 = vector.broadcast %jit3A : i32 to vector<16xi32>
      %select_n3A = arith.select %gt3A, %broadcast_in_dim3A_49, %broadcast_in_dim3A_43 : vector<16xi1>, vector<16xi32>
      %select_n3A_50 = arith.select %gt3A, %get3A_48, %get3A_42 : vector<16xi1>, vector<16xf32>
      %add3A_51 = arith.constant 256 : i32
      %add3A_52 = arith.addi %add3A_51, %multiple_of3A : i32
      %get3A_53 = arith.index_cast %add3A_52 : i32 to index
      %get3A_54 = tpu.vector_load %arg4[%get3A_53] {strides = array<i32>} : memref<1920xf32, #tpu.memory_space<vmem>>, vector<16xf32>,
      %get3A_55 = vector.shape_cast %get3A_54 : vector<16xf32> to vector<16xf32>
      %gt3A_56 = arith.cmpf ogt, %get3A_55, %select_n3A_50 : vector<16xf32>
      %jit3A_57 = arith.constant 2 : i32
      %broadcast_in_dim3A_58 = vector.broadcast %jit3A_57 : i32 to vector<16xi32>
      %select_n3A_59 = arith.select %gt3A_56, %broadcast_in_dim3A_58, %select_n3A : vector<16xi1>, vector<16xi32>
      %select_n3A_60 = arith.select %gt3A_56, %get3A_55, %select_n3A_50 : vector<16xi1>, vector<16xf32>
      %add3A_61 = arith.constant 384 : i32
      %add3A_62 = arith.addi %add3A_61, %multiple_of3A : i32
      %get3A_63 = arith.index_cast %add3A_62 : i32 to index
      %get3A_64 = tpu.vector_load %arg4[%get3A_63] {strides = array<i32>} : memref<1920xf32, #tpu.memory_space<vmem>>, vector<16xf32>,
      %get3A_65 = vector.shape_cast %get3A_64 : vector<16xf32> to vector<16xf32>
      %gt3A_66 = arith.cmpf ogt, %get3A_65, %select_n3A_60 : vector<16xf32>
      %jit3A_67 = arith.constant 3 : i32
      %broadcast_in_dim3A_68 = vector.broadcast %jit3A_67 : i32 to vector<16xi32>
      %select_n3A_69 = arith.select %gt3A_66, %broadcast_in_dim3A_68, %select_n3A_59 : vector<16xi1>, vector<16xi32>
      %select_n3A_70 = arith.select %gt3A_66, %get3A_65, %select_n3A_60 : vector<16xi1>, vector<16xf32>
      %add3A_71 = arith.constant 512 : i32
      %add3A_72 = arith.addi %add3A_71, %multiple_of3A : i32
      %get3A_73 = arith.index_cast %add3A_72 : i32 to index
      %get3A_74 = tpu.vector_load %arg4[%get3A_73] {strides = array<i32>} : memref<1920xf32, #tpu.memory_space<vmem>>, vector<16xf32>,
      %get3A_75 = vector.shape_cast %get3A_74 : vector<16xf32> to vector<16xf32>
      %gt3A_76 = arith.cmpf ogt, %get3A_75, %select_n3A_70 : vector<16xf32>
      %jit3A_77 = arith.constant 4 : i32
      %broadcast_in_dim3A_78 = vector.broadcast %jit3A_77 : i32 to vector<16xi32>
      %select_n3A_79 = arith.select %gt3A_76, %broadcast_in_dim3A_78, %select_n3A_69 : vector<16xi1>, vector<16xi32>
      %select_n3A_80 = arith.select %gt3A_76, %get3A_75, %select_n3A_70 : vector<16xi1>, vector<16xf32>
      %add3A_81 = arith.constant 640 : i32
      %add3A_82 = arith.addi %add3A_81, %multiple_of3A : i32
      %get3A_83 = arith.index_cast %add3A_82 : i32 to index
      %get3A_84 = tpu.vector_load %arg4[%get3A_83] {strides = array<i32>} : memref<1920xf32, #tpu.memory_space<vmem>>, vector<16xf32>,
      %get3A_85 = vector.shape_cast %get3A_84 : vector<16xf32> to vector<16xf32>
      %gt3A_86 = arith.cmpf ogt, %get3A_85, %select_n3A_80 : vector<16xf32>
      %jit3A_87 = arith.constant 5 : i32
      %broadcast_in_dim3A_88 = vector.broadcast %jit3A_87 : i32 to vector<16xi32>
      %select_n3A_89 = arith.select %gt3A_86, %broadcast_in_dim3A_88, %select_n3A_79 : vector<16xi1>, vector<16xi32>
      %select_n3A_90 = arith.select %gt3A_86, %get3A_85, %select_n3A_80 : vector<16xi1>, vector<16xf32>
      %add3A_91 = arith.constant 768 : i32
      %add3A_92 = arith.addi %add3A_91, %multiple_of3A : i32
      %get3A_93 = arith.index_cast %add3A_92 : i32 to index
      %get3A_94 = tpu.vector_load %arg4[%get3A_93] {strides = array<i32>} : memref<1920xf32, #tpu.memory_space<vmem>>, vector<16xf32>,
      %get3A_95 = vector.shape_cast %get3A_94 : vector<16xf32> to vector<16xf32>
      %gt3A_96 = arith.cmpf ogt, %get3A_95, %select_n3A_90 : vector<16xf32>
      %jit3A_97 = arith.constant 6 : i32
      %broadcast_in_dim3A_98 = vector.broadcast %jit3A_97 : i32 to vector<16xi32>
      %select_n3A_99 = arith.select %gt3A_96, %broadcast_in_dim3A_98, %select_n3A_89 : vector<16xi1>, vector<16xi32>
      %select_n3A_100 = arith.select %gt3A_96, %get3A_95, %select_n3A_90 : vector<16xi1>, vector<16xf32>
      %add3A_101 = arith.constant 896 : i32
      %add3A_102 = arith.addi %add3A_101, %multiple_of3A : i32
      %get3A_103 = arith.index_cast %add3A_102 : i32 to index
      %get3A_104 = tpu.vector_load %arg4[%get3A_103] {strides = array<i32>} : memref<1920xf32, #tpu.memory_space<vmem>>, vector<16xf32>,
      %get3A_105 = vector.shape_cast %get3A_104 : vector<16xf32> to vector<16xf32>
      %gt3A_106 = arith.cmpf ogt, %get3A_105, %select_n3A_100 : vector<16xf32>
      %jit3A_107 = arith.constant 7 : i32
      %broadcast_in_dim3A_108 = vector.broadcast %jit3A_107 : i32 to vector<16xi32>
      %select_n3A_109 = arith.select %gt3A_106, %broadcast_in_dim3A_108, %select_n3A_99 : vector<16xi1>, vector<16xi32>
      %select_n3A_110 = arith.select %gt3A_106, %get3A_105, %select_n3A_100 : vector<16xi1>, vector<16xf32>
      %add3A_111 = arith.constant 1024 : i32
      %add3A_112 = arith.addi %add3A_111, %multiple_of3A : i32
      %get3A_113 = arith.index_cast %add3A_112 : i32 to index
      %get3A_114 = tpu.vector_load %arg4[%get3A_113] {strides = array<i32>} : memref<1920xf32, #tpu.memory_space<vmem>>, vector<16xf32>,
      %get3A_115 = vector.shape_cast %get3A_114 : vector<16xf32> to vector<16xf32>
      %gt3A_116 = arith.cmpf ogt, %get3A_115, %select_n3A_110 : vector<16xf32>
      %jit3A_117 = arith.constant 8 : i32
      %broadcast_in_dim3A_118 = vector.broadcast %jit3A_117 : i32 to vector<16xi32>
      %select_n3A_119 = arith.select %gt3A_116, %broadcast_in_dim3A_118, %select_n3A_109 : vector<16xi1>, vector<16xi32>
      %select_n3A_120 = arith.select %gt3A_116, %get3A_115, %select_n3A_110 : vector<16xi1>, vector<16xf32>
      %add3A_121 = arith.constant 1152 : i32
      %add3A_122 = arith.addi %add3A_121, %multiple_of3A : i32
      %get3A_123 = arith.index_cast %add3A_122 : i32 to index
      %get3A_124 = tpu.vector_load %arg4[%get3A_123] {strides = array<i32>} : memref<1920xf32, #tpu.memory_space<vmem>>, vector<16xf32>,
      %get3A_125 = vector.shape_cast %get3A_124 : vector<16xf32> to vector<16xf32>
      %gt3A_126 = arith.cmpf ogt, %get3A_125, %select_n3A_120 : vector<16xf32>
      %jit3A_127 = arith.constant 9 : i32
      %broadcast_in_dim3A_128 = vector.broadcast %jit3A_127 : i32 to vector<16xi32>
      %select_n3A_129 = arith.select %gt3A_126, %broadcast_in_dim3A_128, %select_n3A_119 : vector<16xi1>, vector<16xi32>
      %select_n3A_130 = arith.select %gt3A_126, %get3A_125, %select_n3A_120 : vector<16xi1>, vector<16xf32>
      %add3A_131 = arith.constant 1280 : i32
      %add3A_132 = arith.addi %add3A_131, %multiple_of3A : i32
      %get3A_133 = arith.index_cast %add3A_132 : i32 to index
      %get3A_134 = tpu.vector_load %arg4[%get3A_133] {strides = array<i32>} : memref<1920xf32, #tpu.memory_space<vmem>>, vector<16xf32>,
      %get3A_135 = vector.shape_cast %get3A_134 : vector<16xf32> to vector<16xf32>
      %gt3A_136 = arith.cmpf ogt, %get3A_135, %select_n3A_130 : vector<16xf32>
      %jit3A_137 = arith.constant 10 : i32
      %broadcast_in_dim3A_138 = vector.broadcast %jit3A_137 : i32 to vector<16xi32>
      %select_n3A_139 = arith.select %gt3A_136, %broadcast_in_dim3A_138, %select_n3A_129 : vector<16xi1>, vector<16xi32>
      %select_n3A_140 = arith.select %gt3A_136, %get3A_135, %select_n3A_130 : vector<16xi1>, vector<16xf32>
      %add3A_141 = arith.constant 1408 : i32
      %add3A_142 = arith.addi %add3A_141, %multiple_of3A : i32
      %get3A_143 = arith.index_cast %add3A_142 : i32 to index
      %get3A_144 = tpu.vector_load %arg4[%get3A_143] {strides = array<i32>} : memref<1920xf32, #tpu.memory_space<vmem>>, vector<16xf32>,
      %get3A_145 = vector.shape_cast %get3A_144 : vector<16xf32> to vector<16xf32>
      %gt3A_146 = arith.cmpf ogt, %get3A_145, %select_n3A_140 : vector<16xf32>
      %jit3A_147 = arith.constant 11 : i32
      %broadcast_in_dim3A_148 = vector.broadcast %jit3A_147 : i32 to vector<16xi32>
      %select_n3A_149 = arith.select %gt3A_146, %broadcast_in_dim3A_148, %select_n3A_139 : vector<16xi1>, vector<16xi32>
      %select_n3A_150 = arith.select %gt3A_146, %get3A_145, %select_n3A_140 : vector<16xi1>, vector<16xf32>
      %add3A_151 = arith.constant 1536 : i32
      %add3A_152 = arith.addi %add3A_151, %multiple_of3A : i32
      %get3A_153 = arith.index_cast %add3A_152 : i32 to index
      %get3A_154 = tpu.vector_load %arg4[%get3A_153] {strides = array<i32>} : memref<1920xf32, #tpu.memory_space<vmem>>, vector<16xf32>,
      %get3A_155 = vector.shape_cast %get3A_154 : vector<16xf32> to vector<16xf32>
      %gt3A_156 = arith.cmpf ogt, %get3A_155, %select_n3A_150 : vector<16xf32>
      %jit3A_157 = arith.constant 12 : i32
      %broadcast_in_dim3A_158 = vector.broadcast %jit3A_157 : i32 to vector<16xi32>
      %select_n3A_159 = arith.select %gt3A_156, %broadcast_in_dim3A_158, %select_n3A_149 : vector<16xi1>, vector<16xi32>
      %select_n3A_160 = arith.select %gt3A_156, %get3A_155, %select_n3A_150 : vector<16xi1>, vector<16xf32>
      %add3A_161 = arith.constant 1664 : i32
      %add3A_162 = arith.addi %add3A_161, %multiple_of3A : i32
      %get3A_163 = arith.index_cast %add3A_162 : i32 to index
      %get3A_164 = tpu.vector_load %arg4[%get3A_163] {strides = array<i32>} : memref<1920xf32, #tpu.memory_space<vmem>>, vector<16xf32>,
      %get3A_165 = vector.shape_cast %get3A_164 : vector<16xf32> to vector<16xf32>
      %gt3A_166 = arith.cmpf ogt, %get3A_165, %select_n3A_160 : vector<16xf32>
      %jit3A_167 = arith.constant 13 : i32
      %broadcast_in_dim3A_168 = vector.broadcast %jit3A_167 : i32 to vector<16xi32>
      %select_n3A_169 = arith.select %gt3A_166, %broadcast_in_dim3A_168, %select_n3A_159 : vector<16xi1>, vector<16xi32>
      %select_n3A_170 = arith.select %gt3A_166, %get3A_165, %select_n3A_160 : vector<16xi1>, vector<16xf32>
      %add3A_171 = arith.constant 1792 : i32
      %add3A_172 = arith.addi %add3A_171, %multiple_of3A : i32
      %get3A_173 = arith.index_cast %add3A_172 : i32 to index
      %get3A_174 = tpu.vector_load %arg4[%get3A_173] {strides = array<i32>} : memref<1920xf32, #tpu.memory_space<vmem>>, vector<16xf32>,
      %get3A_175 = vector.shape_cast %get3A_174 : vector<16xf32> to vector<16xf32>
      %gt3A_176 = arith.cmpf ogt, %get3A_175, %select_n3A_170 : vector<16xf32>
      %jit3A_177 = arith.constant 14 : i32
      %broadcast_in_dim3A_178 = vector.broadcast %jit3A_177 : i32 to vector<16xi32>
      %select_n3A_179 = arith.select %gt3A_176, %broadcast_in_dim3A_178, %select_n3A_169 : vector<16xi1>, vector<16xi32>
      %select_n3A_180 = arith.select %gt3A_176, %get3A_175, %select_n3A_170 : vector<16xi1>, vector<16xf32>
      %swap3A = arith.index_cast %multiple_of3A : i32 to index
      %swap3A_181 = tpu.vector_load %arg5[%swap3A] {strides = array<i32>} : memref<128xi32, #tpu.memory_space<vmem>>, vector<16xi32>,
      %swap3A_182 = vector.shape_cast %swap3A_181 : vector<16xi32> to vector<16xi32>
      %swap3A_183 = vector.shape_cast %select_n3A_179 : vector<16xi32> to vector<16xi32>
      tpu.vector_store %arg5[%swap3A], %swap3A_183 {strides = array<i32>} : memref<128xi32, #tpu.memory_space<vmem>>, vector<16xi32>,
    }
    %scan3A_37 = arith.constant 8 : i32
    "tpu.region"() ({
      %run_scoped3A = tpu.sem_alloc : memref<!tpu.dma_semaphore, #tpu.memory_space<semaphore_mem>>
      %dma_start3A = tpu.memref_slice %arg3[%mul3A_2] : memref<4096xi32, #tpu.memory_space<hbm>> -> memref<128xi32, #tpu.memory_space<hbm>>
      %dma_start3A_38 = tpu.memref_slice %arg3[%mul3A_2] : memref<4096xi32, #tpu.memory_space<hbm>> -> memref<128xi32, #tpu.memory_space<hbm>>
      tpu.enqueue_dma source(%arg5 : memref<128xi32, #tpu.memory_space<vmem>>) target(%dma_start3A_38 : memref<128xi32, #tpu.memory_space<hbm>>) target_semaphore(%run_scoped3A : memref<!tpu.dma_semaphore, #tpu.memory_space<semaphore_mem>>)
      %dma_wait3A = tpu.memref_slice %arg3[%mul3A_2] : memref<4096xi32, #tpu.memory_space<hbm>> -> memref<128xi32, #tpu.memory_space<hbm>>
      %dma_wait3A_39 = tpu.memref_slice %arg3[%mul3A_2] : memref<4096xi32, #tpu.memory_space<hbm>> -> memref<128xi32, #tpu.memory_space<hbm>>
      tpu.wait_dma2 semaphore(%run_scoped3A : memref<!tpu.dma_semaphore, #tpu.memory_space<semaphore_mem>>) src(%arg5 : memref<128xi32, #tpu.memory_space<vmem>>) dst(%dma_wait3A_39 : memref<128xi32, #tpu.memory_space<hbm>>)
      tpu.yield
    }) : () -> ()
    return
  }
}

module attributes {stable_mosaic.version = 14 : i64} {
  func.func @_body_a(%arg0: i32, %arg1: memref<1024x1024xf32, #tpu.memory_space<vmem>>, %arg2: memref<1024x15xf32, #tpu.memory_space<vmem>>, %arg3: memref<100x8xf32, #tpu.memory_space<vmem>>, %arg4: memref<1040x15xf32, #tpu.memory_space<vmem>>, %arg5: memref<1x15xf32, #tpu.memory_space<vmem>>, %arg6: memref<1024x15xf32, #tpu.memory_space<vmem>>, %arg7: memref<15x1024xf32, #tpu.memory_space<vmem>>, %arg8: memref<1040x15xbf16, #tpu.memory_space<vmem>>) attributes {dimension_semantics = [#tpu.dimension_semantics<arbitrary>], iteration_bounds = array<i64: 4>, scalar_prefetch = 0 : i64, scratch_operands = 1 : i64, tpu.core_type = #tpu.core_type<tc>, window_params = [{transform_indices = @transform_0, window_bounds = array<i64: 1024, 1024>}, {transform_indices = @transform_1, window_bounds = array<i64: 1024, 15>}, {pipeline_mode = #tpu.pipeline_mode<synchronous>, transform_indices = @transform_2, window_bounds = array<i64: 100, 8>}, {pipeline_mode = #tpu.pipeline_mode<synchronous>, transform_indices = @transform_3, window_bounds = array<i64: 1040, 15>}, {pipeline_mode = #tpu.pipeline_mode<synchronous>, transform_indices = @transform_4, window_bounds = array<i64: 1, 15>}, {transform_indices = @transform_5, window_bounds = array<i64: 1024, 15>}, {transform_indices = @transform_6, window_bounds = array<i64: 15, 1024>}]} {
    %eq3A = arith.constant 0 : i32
    %eq3A_0 = arith.cmpi eq, %arg0, %eq3A : i32
    %convert_element_type3A = arith.extui %eq3A_0 : i1 to i32
    %cond3A = arith.constant 0 : i32
    %cond3A_1 = arith.cmpi ne, %convert_element_type3A, %cond3A : i32
    scf.if %cond3A_1 {
      %get3A_44 = arith.constant 0 : index
      %get3A_45 = arith.constant 0 : index
      %get3A_46 = vector.load %arg4[%get3A_44, %get3A_45] : memref<1040x15xf32, #tpu.memory_space<vmem>>, vector<1040x15xf32>
      %convert_element_type3A_47 = arith.truncf %get3A_46 : vector<1040x15xf32> to vector<1040x15xbf16>
      %swap3A_48 = arith.constant 0 : index
      %swap3A_49 = arith.constant 0 : index
      %swap3A_50 = vector.load %arg8[%swap3A_48, %swap3A_49] : memref<1040x15xbf16, #tpu.memory_space<vmem>>, vector<1040x15xbf16>
      tpu.vector_store %arg8[%swap3A_48, %swap3A_49], %convert_element_type3A_47 {strides = array<i32>} : memref<1040x15xbf16, #tpu.memory_space<vmem>>, vector<1040x15xbf16>,
    } else {
    }
    %get3A = arith.constant 0 : index
    %get3A_2 = arith.constant 0 : index
    %get3A_3 = vector.load %arg1[%get3A, %get3A_2] : memref<1024x1024xf32, #tpu.memory_space<vmem>>, vector<1024x1024xf32>
    %convert_element_type3A_4 = arith.truncf %get3A_3 : vector<1024x1024xf32> to vector<1024x1024xbf16>
    %get3A_5 = arith.constant 1 : index
    %get3A_6 = arith.constant 0 : index
    %get3A_7 = vector.load %arg3[%get3A_5, %get3A_6] : memref<100x8xf32, #tpu.memory_space<vmem>>, vector<1x8xf32>
    %convert_element_type3A_8 = arith.truncf %get3A_7 : vector<1x8xf32> to vector<1x8xbf16>
    %get3A_9 = arith.constant 0 : index
    %get3A_10 = arith.constant 0 : index
    %get3A_11 = vector.load %arg8[%get3A_9, %get3A_10] : memref<1040x15xbf16, #tpu.memory_space<vmem>>, vector<8x15xbf16>
    %dot_general3A = arith.constant dense<0.000000e+00> : vector<1x15xf32>
    %dot_general3A_12 = tpu.matmul %convert_element_type3A_8, %get3A_11, %dot_general3A {dimension_numbers = #tpu.dot_dimension_numbers<[1], [0], [0], [1], [0, 0, 1, 1], [], []>, transpose_lhs_hint = false} : vector<1x8xbf16>, vector<8x15xbf16>, vector<1x15xf32> -> vector<1x15xf32>
    %get3A_13 = arith.constant 0 : index
    %get3A_14 = arith.constant 0 : index
    %get3A_15 = vector.load %arg5[%get3A_13, %get3A_14] : memref<1x15xf32, #tpu.memory_space<vmem>>, vector<1x15xf32>
    %add3A = arith.addf %dot_general3A_12, %get3A_15 : vector<1x15xf32>
    %get3A_16 = arith.constant 16 : index
    %get3A_17 = arith.constant 0 : index
    %get3A_18 = vector.load %arg8[%get3A_16, %get3A_17] : memref<1040x15xbf16, #tpu.memory_space<vmem>>, vector<1024x15xbf16>
    %dot_general3A_19 = arith.constant dense<0.000000e+00> : vector<1024x15xf32>
    %dot_general3A_20 = tpu.matmul %convert_element_type3A_4, %get3A_18, %dot_general3A_19 {dimension_numbers = #tpu.dot_dimension_numbers<[1], [0], [0], [1], [0, 0, 1, 1], [], []>, transpose_lhs_hint = false} : vector<1024x1024xbf16>, vector<1024x15xbf16>, vector<1024x15xf32> -> vector<1024x15xf32>
    %add3A_21 = vector.broadcast %add3A : vector<1x15xf32> to vector<1024x15xf32>
    %add3A_22 = arith.addf %dot_general3A_20, %add3A_21 : vector<1024x15xf32>
    %reduce_max3A = arith.constant dense<0xFF800000> : vector<1024xf32>
    %reduce_max3A_23 = vector.multi_reduction <maximumf>, %add3A_22, %reduce_max3A [1] : vector<1024x15xf32> to vector<1024xf32>
    %broadcast_in_dim3A = vector.shape_cast %reduce_max3A_23 : vector<1024xf32> to vector<1024x1xf32>
    %sub3A = vector.broadcast %broadcast_in_dim3A : vector<1024x1xf32> to vector<1024x15xf32>
    %sub3A_24 = arith.subf %add3A_22, %sub3A : vector<1024x15xf32>
    %exp3A = math.exp %sub3A_24 : vector<1024x15xf32>
    %reduce_sum3A = arith.constant dense<0.000000e+00> : vector<1024xf32>
    %reduce_sum3A_25 = vector.multi_reduction <add>, %exp3A, %reduce_sum3A [1] : vector<1024x15xf32> to vector<1024xf32>
    %broadcast_in_dim3A_26 = vector.shape_cast %reduce_sum3A_25 : vector<1024xf32> to vector<1024x1xf32>
    %div3A = vector.broadcast %broadcast_in_dim3A_26 : vector<1024x1xf32> to vector<1024x15xf32>
    %div3A_27 = arith.divf %exp3A, %div3A : vector<1024x15xf32>
    %swap3A = arith.constant 0 : index
    %swap3A_28 = arith.constant 0 : index
    %swap3A_29 = vector.load %arg6[%swap3A, %swap3A_28] : memref<1024x15xf32, #tpu.memory_space<vmem>>, vector<1024x15xf32>
    tpu.vector_store %arg6[%swap3A, %swap3A_28], %div3A_27 {strides = array<i32>} : memref<1024x15xf32, #tpu.memory_space<vmem>>, vector<1024x15xf32>,
    %get3A_30 = arith.constant 0 : index
    %get3A_31 = arith.constant 0 : index
    %get3A_32 = vector.load %arg2[%get3A_30, %get3A_31] : memref<1024x15xf32, #tpu.memory_space<vmem>>, vector<1024x15xf32>
    %log3A = math.log %get3A_32 : vector<1024x15xf32>
    %neg3A = arith.constant 0.000000e+00 : f32
    %neg3A_33 = vector.broadcast %neg3A : f32 to vector<1024x15xf32>
    %neg3A_34 = arith.subf %neg3A_33, %log3A : vector<1024x15xf32>
    %log3A_35 = math.log %neg3A_34 : vector<1024x15xf32>
    %neg3A_36 = arith.constant 0.000000e+00 : f32
    %neg3A_37 = vector.broadcast %neg3A_36 : f32 to vector<1024x15xf32>
    %neg3A_38 = arith.subf %neg3A_37, %log3A_35 : vector<1024x15xf32>
    %log3A_39 = math.log %div3A_27 : vector<1024x15xf32>
    %add3A_40 = arith.addf %log3A_39, %neg3A_38 : vector<1024x15xf32>
    %transpose3A = tpu.transpose %add3A_40, [1, 0] : vector<1024x15xf32> -> vector<15x1024xf32>
    %swap3A_41 = arith.constant 0 : index
    %swap3A_42 = arith.constant 0 : index
    %swap3A_43 = vector.load %arg7[%swap3A_41, %swap3A_42] : memref<15x1024xf32, #tpu.memory_space<vmem>>, vector<15x1024xf32>
    tpu.vector_store %arg7[%swap3A_41, %swap3A_42], %transpose3A {strides = array<i32>} : memref<15x1024xf32, #tpu.memory_space<vmem>>, vector<15x1024xf32>,
    return
  }
  func.func @transform_0(%arg0: i32) -> (i32, i32) {
    %c0_i32 = arith.constant 0 : i32
    %c0_i32_0 = arith.constant 0 : i32
    return %arg0, %c0_i32 : i32, i32
  }
  func.func @transform_1(%arg0: i32) -> (i32, i32) {
    %c0_i32 = arith.constant 0 : i32
    %c0_i32_0 = arith.constant 0 : i32
    return %arg0, %c0_i32 : i32, i32
  }
  func.func @transform_2(%arg0: i32) -> (i32, i32) {
    %c0_i32 = arith.constant 0 : i32
    %c0_i32_0 = arith.constant 0 : i32
    %c0_i32_1 = arith.constant 0 : i32
    return %c0_i32, %c0_i32_0 : i32, i32
  }
  func.func @transform_3(%arg0: i32) -> (i32, i32) {
    %c0_i32 = arith.constant 0 : i32
    %c0_i32_0 = arith.constant 0 : i32
    %c0_i32_1 = arith.constant 0 : i32
    return %c0_i32, %c0_i32_0 : i32, i32
  }
  func.func @transform_4(%arg0: i32) -> (i32, i32) {
    %c0_i32 = arith.constant 0 : i32
    %c0_i32_0 = arith.constant 0 : i32
    %c0_i32_1 = arith.constant 0 : i32
    return %c0_i32, %c0_i32_0 : i32, i32
  }
  func.func @transform_5(%arg0: i32) -> (i32, i32) {
    %c0_i32 = arith.constant 0 : i32
    %c0_i32_0 = arith.constant 0 : i32
    return %arg0, %c0_i32 : i32, i32
  }
  func.func @transform_6(%arg0: i32) -> (i32, i32) {
    %c0_i32 = arith.constant 0 : i32
    %c0_i32_0 = arith.constant 0 : i32
    return %c0_i32, %arg0 : i32, i32
  }
}

module attributes {stable_mosaic.version = 14 : i64} {
  func.func @_body_c(%arg0: i32, %arg1: memref<1024x1024xf32, #tpu.memory_space<vmem>>, %arg2: memref<1024x1xi32, #tpu.memory_space<vmem>>, %arg3: memref<100x8xf32, #tpu.memory_space<vmem>>, %arg4: memref<1048x1024xf32, #tpu.memory_space<vmem>>, %arg5: memref<1x1024xf32, #tpu.memory_space<vmem>>, %arg6: memref<1024x1024xf32, #tpu.memory_space<vmem>>, %arg7: memref<1048x1024xbf16, #tpu.memory_space<vmem>>) attributes {dimension_semantics = [#tpu.dimension_semantics<arbitrary>], iteration_bounds = array<i64: 4>, scalar_prefetch = 0 : i64, scratch_operands = 1 : i64, tpu.core_type = #tpu.core_type<tc>, window_params = [{transform_indices = @transform_0, window_bounds = array<i64: 1024, 1024>}, {transform_indices = @transform_1, window_bounds = array<i64: 1024, 1>}, {pipeline_mode = #tpu.pipeline_mode<synchronous>, transform_indices = @transform_2, window_bounds = array<i64: 100, 8>}, {pipeline_mode = #tpu.pipeline_mode<synchronous>, transform_indices = @transform_3, window_bounds = array<i64: 1048, 1024>}, {pipeline_mode = #tpu.pipeline_mode<synchronous>, transform_indices = @transform_4, window_bounds = array<i64: 1, 1024>}, {transform_indices = @transform_5, window_bounds = array<i64: 1024, 1024>}]} {
    %eq3A = arith.constant 0 : i32
    %eq3A_0 = arith.cmpi eq, %arg0, %eq3A : i32
    %convert_element_type3A = arith.extui %eq3A_0 : i1 to i32
    %cond3A = arith.constant 0 : i32
    %cond3A_1 = arith.cmpi ne, %convert_element_type3A, %cond3A : i32
    scf.if %cond3A_1 {
      %get3A_40 = arith.constant 0 : index
      %get3A_41 = arith.constant 0 : index
      %get3A_42 = vector.load %arg4[%get3A_40, %get3A_41] : memref<1048x1024xf32, #tpu.memory_space<vmem>>, vector<1048x1024xf32>
      %convert_element_type3A_43 = arith.truncf %get3A_42 : vector<1048x1024xf32> to vector<1048x1024xbf16>
      %swap3A_44 = arith.constant 0 : index
      %swap3A_45 = arith.constant 0 : index
      %swap3A_46 = vector.load %arg7[%swap3A_44, %swap3A_45] : memref<1048x1024xbf16, #tpu.memory_space<vmem>>, vector<1048x1024xbf16>
      tpu.vector_store %arg7[%swap3A_44, %swap3A_45], %convert_element_type3A_43 {strides = array<i32>} : memref<1048x1024xbf16, #tpu.memory_space<vmem>>, vector<1048x1024xbf16>,
    } else {
    }
    %get3A = arith.constant 0 : index
    %get3A_2 = arith.constant 0 : index
    %get3A_3 = vector.load %arg1[%get3A, %get3A_2] : memref<1024x1024xf32, #tpu.memory_space<vmem>>, vector<1024x1024xf32>
    %convert_element_type3A_4 = arith.truncf %get3A_3 : vector<1024x1024xf32> to vector<1024x1024xbf16>
    %get3A_5 = arith.constant 1 : index
    %get3A_6 = arith.constant 0 : index
    %get3A_7 = vector.load %arg3[%get3A_5, %get3A_6] : memref<100x8xf32, #tpu.memory_space<vmem>>, vector<1x8xf32>
    %convert_element_type3A_8 = arith.truncf %get3A_7 : vector<1x8xf32> to vector<1x8xbf16>
    %get3A_9 = arith.constant 0 : index
    %get3A_10 = arith.constant 0 : index
    %get3A_11 = vector.load %arg2[%get3A_9, %get3A_10] : memref<1024x1xi32, #tpu.memory_space<vmem>>, vector<1024x1xi32>
    %iota3A = tpu.iota {dimensions = array<i32: 1>} : vector<1024x100xi32>
    %eq3A_12 = vector.broadcast %get3A_11 : vector<1024x1xi32> to vector<1024x100xi32>
    %eq3A_13 = arith.cmpi eq, %iota3A, %eq3A_12 : vector<1024x100xi32>
    %convert_element_type3A_14 = arith.extui %eq3A_13 : vector<1024x100xi1> to vector<1024x100xi32>
    %convert_element_type3A_15 = arith.sitofp %convert_element_type3A_14 : vector<1024x100xi32> to vector<1024x100xf32>
    %convert_element_type3A_16 = arith.truncf %convert_element_type3A_15 : vector<1024x100xf32> to vector<1024x100xbf16>
    %get3A_17 = arith.constant 0 : index
    %get3A_18 = arith.constant 0 : index
    %get3A_19 = vector.load %arg3[%get3A_17, %get3A_18] : memref<100x8xf32, #tpu.memory_space<vmem>>, vector<100x8xf32>
    %convert_element_type3A_20 = arith.truncf %get3A_19 : vector<100x8xf32> to vector<100x8xbf16>
    %dot_general3A = arith.constant dense<0.000000e+00> : vector<1024x8xf32>
    %dot_general3A_21 = tpu.matmul %convert_element_type3A_16, %convert_element_type3A_20, %dot_general3A {dimension_numbers = #tpu.dot_dimension_numbers<[1], [0], [0], [1], [0, 0, 1, 1], [], []>, transpose_lhs_hint = false} : vector<1024x100xbf16>, vector<100x8xbf16>, vector<1024x8xf32> -> vector<1024x8xf32>
    %convert_element_type3A_22 = arith.truncf %dot_general3A_21 : vector<1024x8xf32> to vector<1024x8xbf16>
    %concatenate3A = tpu.concatenate %convert_element_type3A_4, %convert_element_type3A_22 in 1 : vector<1024x1024xbf16>, vector<1024x8xbf16> -> vector<1024x1032xbf16>
    %get3A_23 = arith.constant 0 : index
    %get3A_24 = arith.constant 0 : index
    %get3A_25 = vector.load %arg7[%get3A_23, %get3A_24] : memref<1048x1024xbf16, #tpu.memory_space<vmem>>, vector<8x1024xbf16>
    %dot_general3A_26 = arith.constant dense<0.000000e+00> : vector<1x1024xf32>
    %dot_general3A_27 = tpu.matmul %convert_element_type3A_8, %get3A_25, %dot_general3A_26 {dimension_numbers = #tpu.dot_dimension_numbers<[1], [0], [0], [1], [0, 0, 1, 1], [], []>, transpose_lhs_hint = false} : vector<1x8xbf16>, vector<8x1024xbf16>, vector<1x1024xf32> -> vector<1x1024xf32>
    %get3A_28 = arith.constant 0 : index
    %get3A_29 = arith.constant 0 : index
    %get3A_30 = vector.load %arg5[%get3A_28, %get3A_29] : memref<1x1024xf32, #tpu.memory_space<vmem>>, vector<1x1024xf32>
    %add3A = arith.addf %dot_general3A_27, %get3A_30 : vector<1x1024xf32>
    %get3A_31 = arith.constant 16 : index
    %get3A_32 = arith.constant 0 : index
    %get3A_33 = vector.load %arg7[%get3A_31, %get3A_32] : memref<1048x1024xbf16, #tpu.memory_space<vmem>>, vector<1032x1024xbf16>
    %dot_general3A_34 = arith.constant dense<0.000000e+00> : vector<1024x1024xf32>
    %dot_general3A_35 = tpu.matmul %concatenate3A, %get3A_33, %dot_general3A_34 {dimension_numbers = #tpu.dot_dimension_numbers<[1], [0], [0], [1], [0, 0, 1, 1], [], []>, transpose_lhs_hint = false} : vector<1024x1032xbf16>, vector<1032x1024xbf16>, vector<1024x1024xf32> -> vector<1024x1024xf32>
    %add3A_36 = vector.broadcast %add3A : vector<1x1024xf32> to vector<1024x1024xf32>
    %add3A_37 = arith.addf %dot_general3A_35, %add3A_36 : vector<1024x1024xf32>
    %swap3A = arith.constant 0 : index
    %swap3A_38 = arith.constant 0 : index
    %swap3A_39 = vector.load %arg6[%swap3A, %swap3A_38] : memref<1024x1024xf32, #tpu.memory_space<vmem>>, vector<1024x1024xf32>
    tpu.vector_store %arg6[%swap3A, %swap3A_38], %add3A_37 {strides = array<i32>} : memref<1024x1024xf32, #tpu.memory_space<vmem>>, vector<1024x1024xf32>,
    return
  }
  func.func @transform_0(%arg0: i32) -> (i32, i32) {
    %c0_i32 = arith.constant 0 : i32
    %c0_i32_0 = arith.constant 0 : i32
    return %arg0, %c0_i32 : i32, i32
  }
  func.func @transform_1(%arg0: i32) -> (i32, i32) {
    %c0_i32 = arith.constant 0 : i32
    %c0_i32_0 = arith.constant 0 : i32
    return %arg0, %c0_i32 : i32, i32
  }
  func.func @transform_2(%arg0: i32) -> (i32, i32) {
    %c0_i32 = arith.constant 0 : i32
    %c0_i32_0 = arith.constant 0 : i32
    %c0_i32_1 = arith.constant 0 : i32
    return %c0_i32, %c0_i32_0 : i32, i32
  }
  func.func @transform_3(%arg0: i32) -> (i32, i32) {
    %c0_i32 = arith.constant 0 : i32
    %c0_i32_0 = arith.constant 0 : i32
    %c0_i32_1 = arith.constant 0 : i32
    return %c0_i32, %c0_i32_0 : i32, i32
  }
  func.func @transform_4(%arg0: i32) -> (i32, i32) {
    %c0_i32 = arith.constant 0 : i32
    %c0_i32_0 = arith.constant 0 : i32
    %c0_i32_1 = arith.constant 0 : i32
    return %c0_i32, %c0_i32_0 : i32, i32
  }
  func.func @transform_5(%arg0: i32) -> (i32, i32) {
    %c0_i32 = arith.constant 0 : i32
    %c0_i32_0 = arith.constant 0 : i32
    return %arg0, %c0_i32 : i32, i32
  }
}

</mosaic_0001>

<sc_bundles>
// kernel: kernel.5.cloned.1.call-start
scs
__scs_entry_jumppad:
0x0: {  	(pc) =	sbr.rel $0x88, $3  }
0x1: {  	(tag) =	ssettag $0x0;
	lr =	simm.s32 $0x1  }
0x2: {  	[smem:$0x3F9A] =	sst lr;
	_ =	strace $0xD0000000  }
0x3: {  	_ = 	snop  }
0x4: {  	_ = 	snop  }
0x5: {  	_ = 	snop  }
0x6: {  	_ = 	snop  }
0x7: {  	_ = 	snop  }
__scs_overlays_trampoline_lowered:
0x8: {  	[smem:$0x3FA9] =	sst s0  }
0x9: {  	[smem:$0x3FAA] =	sst s1  }
0xa: {  	[smem:$0x3FAB] =	sst s2  }
0xb: {  	[smem:$0x3FAC] =	sst s3  }
0xc: {  	[smem:$0x3FAD] =	sst s4  }
0xd: {  	[smem:$0x3FAE] =	sst s5  }
0xe: {  	[smem:$0x3FAF] =	sst s6  }
0xf: {  	[smem:$0x3FB0] =	sst s7  }
0x10: {  	[smem:$0x3FB1] =	sst s8  }
0x11: {  	[smem:$0x3FB2] =	sst s9;
	s0 =	simm.s32 @!p0 $0x0  }
0x12: {  	s1 =	sld [smem:$0x3F98];
	s0 =	simm.s32 @p0 $0x1  }
0x13: {  	[smem:$0x3FB3] =	sst s0;
	s0 =	simm.s32 @!p1 $0x0  }
0x14: {  	s2 =	sld [smem:$0x3F97];
	s0 =	simm.s32 @p1 $0x1  }
0x15: {  	[smem:$0x3FB4] =	sst s0;
	s0 =	simm.s32 @!p2 $0x0  }
0x16: {  	s3 =	sld [smem:$0x3FDB];
	s0 =	simm.s32 @p2 $0x1  }
0x17: {  	s4 =	simm.s32 $0x1BF5;
	[smem:$0x3FB6] =	sst s0  }
0x18: {  	s0 =	sld [smem:$0x3F99];
	_ =	swait.ge [sflag:s4], $0x0  }
0x19: {  	s7 =	sld [smem:$0x3F9A]  }
0x1a: {  	s8 =	sadd.s32 $0xFFFFE003, lr  }
0x1b: {  	s9 =	sadd.s32 $0xFFFFFEF7, lr;
	s5 =	simm.s32 $0xFFFFFFFF;
	p2 =	slt.u32 s8, $0xFFFFF086  }
0x1c: {  	p1 =	slt.u32 s9, $0xF7A;
	s5 =	simm.s32 @!p2 $0x0  }
0x1d: {  	s5 =	simm.s32 @p1 $0x1;
	p0 =	seq.s32 s7, s2  }
0x1e: {  	s7 =	smul.u32 @!p0 $0xF7A, s2;
	p2 =	seq.s32 @!p0 s5, $0x0  }
0x1f: {  	s9 =	smul.u32 $0xF7A, s1;
	s8 =	simm.s32 @!p0 $0x1BF5;
	p2 =	por !p2, p0  }
0x20: {  	[sflag:s8] =	ssyncset.s32 @!p0 $0xFFFFF086;
	s6 =	sadd.s32 @!p0 s3, s7;
	s7 =	simm.s32 @!p0 $0x108  }
0x21: {  	s3 =	sadd.s32 s3, s9;
	s6 =	sadd.s32 @!p0 $0x88, s6;
	s7 =	simm.s32 @p2 $0x1082  }
0x22: {  	[simem:s7], [sflag:s8] =	dma.local @!p0 [hbm:s6], $0xF7A  }
0x23: {  	s9 =	sor.u32 $0xD0000000, s2;
	s6 =	simm.s32 $0x108;
	_ =	swait.ge @!p0 [sflag:s8], $0x0  }
0x24: {  	s3 =	sadd.s32 $0x88, s3;
	s6 =	simm.s32 @!p1 $0x1082;
	[sflag:s4] =	ssyncset.s32 $0xFFFFF086  }
0x25: {  	[simem:s6], [sflag:s4] =	dma.local [hbm:s3], $0xF7A  }
0x26: {  	[smem:$0x3F9A] =	sst s1;
	(tag) =	ssettag s2;
	_ =	strace s9  }
0x27: {  	s1 =	sld [smem:$0x3FAA]  }
0x28: {  	s2 =	sld [smem:$0x3FAB]  }
0x29: {  	s4 =	sld [smem:$0x3FAD]  }
0x2a: {  	p0 =	seq.s32 s5, $0x0;
	s5 =	sld [smem:$0x3FAE]  }
0x2b: {  	s6 =	sld [smem:$0x3FAF]  }
0x2c: {  	s7 =	sld [smem:$0x3FB0]  }
0x2d: {  	s3 =	simm.s32 $0x108;
	s8 =	sld [smem:$0x3FB1]  }
0x2e: {  	s3 =	simm.s32 @!p0 $0x1082;
	s9 =	sld [smem:$0x3FB2]  }
0x2f: {  	lr =	sadd.s32 s0, s3;
	s0 =	sld [smem:$0x3FA9]  }
0x30: {  	s3 =	sld [smem:$0x3FAC]  }
0x31: {  	[smem:$0x3FB5] =	sst s10  }
0x32: {  	s10 =	sld [smem:$0x3FB3];
	_ =	sdelay $0x3  }
0x33: {  	p0 =	seq.s32 s10, $0x1;
	s10 =	sld [smem:$0x3FB5];
	_ =	sdelay $0x3  }
0x34: {  	[smem:$0x3FB5] =	sst s10  }
0x35: {  	s10 =	sld [smem:$0x3FB4];
	_ =	sdelay $0x3  }
0x36: {  	p1 =	seq.s32 s10, $0x1;
	s10 =	sld [smem:$0x3FB5];
	_ =	sdelay $0x3  }
0x37: {  	[smem:$0x3FB5] =	sst s10  }
0x38: {  	s10 =	sld [smem:$0x3FB6]  }
0x39: {  	_ = 	snop;
	(pc) =	sbr.ind lr, $3  }
0x3a: {  	_ = 	snop  }
0x3b: {  	_ = 	snop  }
0x3c: {  	p2 =	seq.s32 s10, $0x1;
	s10 =	sld [smem:$0x3FB5]  }
0x3d: {  	_ =	shalt  }
0x3e: {  	_ =	shalt  }
0x3f: {  	_ =	shalt  }
0x40: {  	_ =	shalt  }
0x41: {  	_ =	shalt  }
0x42: {  	_ =	shalt  }
0x43: {  	_ =	shalt  }
0x44: {  	_ =	shalt  }
0x45: {  	_ =	shalt  }
0x46: {  	_ =	shalt  }
0x47: {  	_ =	shalt  }
0x48: {  	_ =	shalt  }
0x49: {  	_ =	shalt  }
0x4a: {  	_ =	shalt  }
0x4b: {  	_ =	shalt  }
0x4c: {  	_ =	shalt  }
0x4d: {  	_ =	shalt  }
0x4e: {  	_ =	shalt  }
0x4f: {  	_ =	shalt  }
0x50: {  	_ =	shalt  }
0x51: {  	_ =	shalt  }
0x52: {  	_ =	shalt  }
0x53: {  	_ =	shalt  }
0x54: {  	_ =	shalt  }
0x55: {  	_ =	shalt  }
0x56: {  	_ =	shalt  }
0x57: {  	_ =	shalt  }
0x58: {  	_ =	shalt  }
0x59: {  	_ =	shalt  }
0x5a: {  	_ =	shalt  }
0x5b: {  	_ =	shalt  }
0x5c: {  	_ =	shalt  }
0x5d: {  	_ =	shalt  }
0x5e: {  	_ =	shalt  }
0x5f: {  	_ =	shalt  }
0x60: {  	_ =	shalt  }
0x61: {  	_ =	shalt  }
0x62: {  	_ =	shalt  }
0x63: {  	_ =	shalt  }
0x64: {  	_ =	shalt  }
0x65: {  	_ =	shalt  }
0x66: {  	_ =	shalt  }
0x67: {  	_ =	shalt  }
0x68: {  	_ =	shalt  }
0x69: {  	_ =	shalt  }
0x6a: {  	_ =	shalt  }
0x6b: {  	_ =	shalt  }
0x6c: {  	_ =	shalt  }
0x6d: {  	_ =	shalt  }
0x6e: {  	_ =	shalt  }
0x6f: {  	_ =	shalt  }
0x70: {  	_ =	shalt  }
0x71: {  	_ =	shalt  }
0x72: {  	_ =	shalt  }
0x73: {  	_ =	shalt  }
0x74: {  	_ =	shalt  }
0x75: {  	_ =	shalt  }
0x76: {  	_ =	shalt  }
0x77: {  	_ =	shalt  }
0x78: {  	_ =	shalt  }
0x79: {  	_ =	shalt  }
0x7a: {  	_ =	shalt  }
0x7b: {  	_ =	shalt  }
0x7c: {  	_ =	shalt  }
0x7d: {  	_ =	shalt  }
0x7e: {  	_ =	shalt  }
0x7f: {  	_ =	shalt  }
0x80: {  	_ =	shalt  }
0x81: {  	_ =	shalt  }
0x82: {  	_ =	shalt  }
0x83: {  	_ =	shalt  }
0x84: {  	_ =	shalt  }
0x85: {  	_ =	shalt  }
0x86: {  	_ =	shalt  }
0x87: {  	_ =	shalt  }
.Lfunc_end0:
.L_simem_size_0:
called_computation_lowered:
.L_overlay_start_0:
0x88: {  	s2 =	sld [smem:$0x3FD9]  }
0x89: {  	s3 =	sld [smem:$0x3FFE];
	_ =	sdelay $0x1  }
0x8a: {  	s1 =	srdreg.scid  }
0x8b: {  	s0 =	sand.u32 $0x1, s1  }
0x8c: {  	s15 =	sshll.u32 s0, $0xA;
	s2 =	sadd.s32 s3, s2  }
0x8d: {  	s2 =	sadd.s32 s2, s15  }
0x8e: {  	[smem:$0x3FC1] =	sst s2  }
0x8f: {  	_ = 	snop  }
0x90: {  	s2 =	sld [smem:$0x3FD0];
	_ =	sdelay $0x2  }
0x91: {  	s16 =	simm.s32 $0xA;
	s4 =	simm.s32 $0x10  }
0x92: {  	[smem:s4], [sflag:s16] =	dma.local [hbm:s2], $0x1  }
0x93: {  	_ =	swait.eq [sflag:s16], $0x1  }
0x94: {  	[sflag:s16] =	ssyncset.done $0x0  }
0x95: {  	s17 =	sld [smem:$0x10];
	[sflag:s16] =	ssyncadd.s32 $0xFFFFFFFF  }
0x96: {  	s18 =	sld [smem:$0x11];
	(tm) =	ssettm $0x1  }
0x97: {  	s19 =	sld [smem:$0x3FFB];
	_ =	sdelay $0x3  }
0x98: {  	_ =	strace s19  }
0x99: {  	s4 =	sld [smem:$0x3FFC];
	_ =	sdelay $0x3  }
0x9a: {  	_ =	strace s4  }
0x9b: {  	s4 =	sld [smem:$0x3FFD];
	_ =	sdelay $0x3  }
0x9c: {  	_ =	strace s4  }
0x9d: {  	_ =	strace $0x8FFFFFFF  }
0x9e: {  	s20 =	sld [smem:$0x3FDB];
	_ =	sdelay $0x1  }
0x9f: {  	s5 =	simm.s32 $_scs_section_size  }
0xa0: {  	s6 =	simm.s32 $_size__tile_overlayer_lowered;
	s7 =	simm.s32 $_tile_overlayer_lowered  }
0xa1: {  	s23 =	simm.s32 $0x1BFF;
	s22 =	sshll.u32 s7, $0x1;
	s4 =	sadd.s32 s5, s20  }
0xa2: {  	s8 =	simm.s32 $0x0;
	s21 =	sshll.u32 s6, $0x1;
	s6 =	sadd.s32 s22, s4  }
0xa3: {  	[timem:s8], [sflag:s23] =	dma.local [hbm:s6], s21  }
0xa4: {  	_ =	swait.ge [sflag:s23], s21  }
0xa5: {  	s5 =	ssub.s32 $0x0, s21;
	[sflag:s23] =	ssyncset.done $0x0  }
0xa6: {  	[sflag:s23] =	ssyncadd.s32 s5;
	_ =	sdelay $0x1  }
0xa7: {  	s24 =	simm.s32 $0x1B8B  }
0xa8: {  	_ =	swait.ge [sflag:s24], $0x1  }
0xa9: {  	[sflag:s24] =	ssyncset.done $0x0  }
0xaa: {  	s25 =	simm.s32 $0x1B8E;
	[sflag:s24] =	ssyncadd.s32 $0xFFFFFFFF  }
0xab: {  	s26 =	simm.s32 $execute0_lowered;
	[smem:$0x3FD2] =	sst s25  }
0xac: {  	s5 =	sshll.u32 s26, $0x1;
	_ =	strace $0x80000046;
	[dreg:$0x1] =	wrdreg $0xFFFFFFFF  }
0xad: {  	s28 =	simm.s32 $_size_execute0_lowered;
	s4 =	sadd.s32 s4, s5;
	[dreg:$0x0] =	wrdreg $0x0  }
0xae: {  	s5 =	sshll.u32 s28, $0x1;
	[dreg:$0x2] =	wrdreg s4  }
0xaf: {  	[dreg:$0x3] =	wrdreg s5  }
0xb0: {  	[dreg:$0x4] =	wrdreg $0xC0  }
0xb1: {  	_ =	task [dreg:s8], $0x5FFFF  }
0xb2: {  	[dreg:$0x1] =	wrdreg $0xFFFFFFFF  }
0xb3: {  	[dreg:$0x0] =	wrdreg $0x60  }
0xb4: {  	[dreg:$0x2] =	wrdreg s17  }
0xb5: {  	[dreg:$0x3] =	wrdreg s18  }
0xb6: {  	[dreg:$0x4] =	wrdreg $0x9  }
0xb7: {  	_ =	task.clear_ibuf [dreg:s8], $0x5FFFF;
	_ =	strace $0x90000046  }
0xb8: {  	s29 =	simm.s32 $0x9;
	_ =	strace $0x80000048  }
0xb9: {  	_ =	swait.ge [sflag:s29], $0x1  }
0xba: {  	[sflag:s29] =	ssyncadd.s32 $0xFFFFFFFF  }
0xbb: {  	_ =	strace $0x90000048  }
0xbc: {  	_ =	sfence  }
0xbd: {  	s30 =	sld [smem:$0x0];
	_ =	sdelay $0x2  }
0xbe: {  	s31 =	sshll.u32 s1, $0xD;
	s1 =	sshrl.u32 s1, $0x2  }
0xbf: {  	s3 =	sand.u32 $0x4000, s31;
	s1 =	sadd.s32 s1, s30  }
0xc0: {  	s0 =	sor.u32 s3, s0;
	s1 =	sshll.u32 s1, $0x11  }
0xc1: {  	s0 =	sor.u32 s1, s0  }
0xc2: {  	s0 =	sadd.s32 $0x8F2B, s0  }
0xc3: {  	[sflag:s0] =	ssyncadd.remote.s32 $0x1  }
0xc4: {  	_ =	sfence.sel $0xFFFF  }
0xc5: {  	[dreg:$0x0] =	wrdreg $0xFFFFFFFF;
	(pc) =	sbr.abs _section_cstart, $3  }
0xc6: {  	[dreg:$0x1] =	wrdreg $0xFFFFFFFF  }
0xc7: {  	_ =	task.clear_ibuf [dreg:s8], $0x2FFFF;
	_ =	strace $0x9FFFFFFF  }
0xc8: {  	(tm) =	ssettm $0x7FFFFFFF  }
0xc9: {  	_ =	shalt  }
tec
execute0_lowered:
.L_overlay_start_1:
0x0: {  	(tag) =	ssettag $0x1  }
0x1: {  	s0 =	rddreg [dreg:$0x0]  }
0x2: {  	s1 =	rddreg [dreg:$0x1];
	s3 =	srdreg.scid;
	s2 =	simm.s32 $0x0  }
0x3: {  	s5 =	stileid.u32;
	s20 =	simm.s32 $0x1;
	s30 =	simm.s32 $0x480  }
0x4: {  	s31 =	simm.s32 $0x500;
	s21 =	simm.s32 $0x680;
	s22 =	simm.s32 $0x700  }
0x5: {  	s23 =	simm.s32 $0x780;
	s24 =	simm.s32 $0x0;
	s3 =	sand.u32 $0x1, s3  }
0x6: {  	s5 =	sshll.u32 s5, $0x5;
	s4 =	ssub.s32 $0x2, s3;
	s3 =	sshll.u32 s3, $0x4  }
0x7: {  	[smem:$0x7FF] =	sst s2;
	s6 =	sshrl.u32 s4, $0x1;
	s18 =	sor.u32 s3, s5  }
0x8: {  	_ =	strace $0x80000047;
	s19 =	ssub.s32 s4, s6;
	s3 =	sadd.s32 s0, s18  }
0x9: {  	s18 =	sadd.s32 s1, s18;
	s0 =	simm.s32 $0x580;
	s1 =	simm.s32 $0x600  }
0xa: {  	s4 =	sadd.s32 $0x200, s3;
	s5 =	sadd.s32 $0x400, s3;
	s6 =	sadd.s32 $0x600, s3  }
0xb: {  	s7 =	sadd.s32 $0x800, s3;
	s8 =	sadd.s32 $0xA00, s3;
	s9 =	sadd.s32 $0xC00, s3  }
0xc: {  	s10 =	sadd.s32 $0xE00, s3;
	s11 =	sadd.s32 $0x1000, s3;
	s12 =	sadd.s32 $0x1200, s3  }
0xd: {  	s13 =	sadd.s32 $0x1400, s3;
	s14 =	sadd.s32 $0x1600, s3;
	s15 =	sadd.s32 $0x1800, s3  }
0xe: {  	v0 =	vimm.s32 $0x0;
	s16 =	sadd.s32 $0x1A00, s3;
	s17 =	sadd.s32 $0x1C00, s3;
	s19 =	smax.u32 s19, $0x1  }
.LBB2_1:
0xf: {  	[tilespmem:s2], [sflag:$0x1] =	stream.linear.gather [hbm4b:s3+s2], $0x80, $0x38;
	[tilespmem:$0x800] =	vst v63  }
0x10: {  	_ =	swait.ge [sflag:s20], $0x80  }
0x11: {  	[sflag:s20] =	ssyncset.done $0x0  }
0x12: {  	s25 =	simm.s32 $0x80;
	[sflag:s20] =	ssyncadd.s32 $0xFFFFFF80  }
0x13: {  	[tilespmem:s25], [sflag:$0x1] =	stream.linear.gather [hbm4b:s4+s2], $0x80, $0x38;
	[tilespmem:$0x800] =	vst v63  }
0x14: {  	_ =	swait.ge [sflag:s20], $0x80  }
0x15: {  	[sflag:s20] =	ssyncset.done $0x0  }
0x16: {  	s26 =	simm.s32 $0x100;
	[sflag:s20] =	ssyncadd.s32 $0xFFFFFF80  }
0x17: {  	[tilespmem:s26], [sflag:$0x1] =	stream.linear.gather [hbm4b:s5+s2], $0x80, $0x38;
	[tilespmem:$0x800] =	vst v63  }
0x18: {  	_ =	swait.ge [sflag:s20], $0x80  }
0x19: {  	[sflag:s20] =	ssyncset.done $0x0  }
0x1a: {  	s26 =	simm.s32 $0x180;
	[sflag:s20] =	ssyncadd.s32 $0xFFFFFF80  }
0x1b: {  	[tilespmem:s26], [sflag:$0x1] =	stream.linear.gather [hbm4b:s6+s2], $0x80, $0x38;
	[tilespmem:$0x800] =	vst v63  }
0x1c: {  	_ =	swait.ge [sflag:s20], $0x80  }
0x1d: {  	[sflag:s20] =	ssyncset.done $0x0  }
0x1e: {  	s26 =	simm.s32 $0x200;
	[sflag:s20] =	ssyncadd.s32 $0xFFFFFF80  }
0x1f: {  	[tilespmem:s26], [sflag:$0x1] =	stream.linear.gather [hbm4b:s7+s2], $0x80, $0x38;
	[tilespmem:$0x800] =	vst v63  }
0x20: {  	_ =	swait.ge [sflag:s20], $0x80  }
0x21: {  	[sflag:s20] =	ssyncset.done $0x0  }
0x22: {  	s26 =	simm.s32 $0x280;
	[sflag:s20] =	ssyncadd.s32 $0xFFFFFF80  }
0x23: {  	[tilespmem:s26], [sflag:$0x1] =	stream.linear.gather [hbm4b:s8+s2], $0x80, $0x38;
	[tilespmem:$0x800] =	vst v63  }
0x24: {  	_ =	swait.ge [sflag:s20], $0x80  }
0x25: {  	[sflag:s20] =	ssyncset.done $0x0  }
0x26: {  	s26 =	simm.s32 $0x300;
	[sflag:s20] =	ssyncadd.s32 $0xFFFFFF80  }
0x27: {  	[tilespmem:s26], [sflag:$0x1] =	stream.linear.gather [hbm4b:s9+s2], $0x80, $0x38;
	[tilespmem:$0x800] =	vst v63  }
0x28: {  	_ =	swait.ge [sflag:s20], $0x80  }
0x29: {  	[sflag:s20] =	ssyncset.done $0x0  }
0x2a: {  	s26 =	simm.s32 $0x380;
	[sflag:s20] =	ssyncadd.s32 $0xFFFFFF80  }
0x2b: {  	[tilespmem:s26], [sflag:$0x1] =	stream.linear.gather [hbm4b:s10+s2], $0x80, $0x38;
	[tilespmem:$0x800] =	vst v63  }
0x2c: {  	_ =	swait.ge [sflag:s20], $0x80  }
0x2d: {  	[sflag:s20] =	ssyncset.done $0x0  }
0x2e: {  	s26 =	simm.s32 $0x400;
	[sflag:s20] =	ssyncadd.s32 $0xFFFFFF80  }
0x2f: {  	[tilespmem:s26], [sflag:$0x1] =	stream.linear.gather [hbm4b:s11+s2], $0x80, $0x38;
	[tilespmem:$0x800] =	vst v63  }
0x30: {  	_ =	swait.ge [sflag:s20], $0x80  }
0x31: {  	[sflag:s20] =	ssyncset.done $0x0  }
0x32: {  	[sflag:s20] =	ssyncadd.s32 $0xFFFFFF80  }
0x33: {  	[tilespmem:s30], [sflag:$0x1] =	stream.linear.gather [hbm4b:s12+s2], $0x80, $0x38;
	[tilespmem:$0x800] =	vst v63  }
0x34: {  	_ =	swait.ge [sflag:s20], $0x80  }
0x35: {  	[sflag:s20] =	ssyncset.done $0x0  }
0x36: {  	[sflag:s20] =	ssyncadd.s32 $0xFFFFFF80  }
0x37: {  	[tilespmem:s31], [sflag:$0x1] =	stream.linear.gather [hbm4b:s13+s2], $0x80, $0x38;
	[tilespmem:$0x800] =	vst v63  }
0x38: {  	_ =	swait.ge [sflag:s20], $0x80  }
0x39: {  	[sflag:s20] =	ssyncset.done $0x0  }
0x3a: {  	[sflag:s20] =	ssyncadd.s32 $0xFFFFFF80  }
0x3b: {  	[tilespmem:s0], [sflag:$0x1] =	stream.linear.gather [hbm4b:s14+s2], $0x80, $0x38;
	[tilespmem:$0x800] =	vst v63  }
0x3c: {  	_ =	swait.ge [sflag:s20], $0x80  }
0x3d: {  	[sflag:s20] =	ssyncset.done $0x0  }
0x3e: {  	[sflag:s20] =	ssyncadd.s32 $0xFFFFFF80  }
0x3f: {  	[tilespmem:s1], [sflag:$0x1] =	stream.linear.gather [hbm4b:s15+s2], $0x80, $0x38;
	[tilespmem:$0x800] =	vst v63  }
0x40: {  	_ =	swait.ge [sflag:s20], $0x80  }
0x41: {  	[sflag:s20] =	ssyncset.done $0x0  }
0x42: {  	[sflag:s20] =	ssyncadd.s32 $0xFFFFFF80  }
0x43: {  	[tilespmem:s21], [sflag:$0x1] =	stream.linear.gather [hbm4b:s16+s2], $0x80, $0x38;
	[tilespmem:$0x800] =	vst v63  }
0x44: {  	_ =	swait.ge [sflag:s20], $0x80  }
0x45: {  	[sflag:s20] =	ssyncset.done $0x0  }
0x46: {  	[sflag:s20] =	ssyncadd.s32 $0xFFFFFF80  }
0x47: {  	[tilespmem:s22], [sflag:$0x1] =	stream.linear.gather [hbm4b:s17+s2], $0x80, $0x38;
	[tilespmem:$0x800] =	vst v63  }
0x48: {  	_ =	swait.ge [sflag:s20], $0x80  }
0x49: {  	[sflag:s20] =	ssyncset.done $0x0  }
0x4a: {  	s26 =	simm.s32 $0x0;
	[sflag:s20] =	ssyncadd.s32 $0xFFFFFF80  }
0x4b: {  	v1 =	vld [tilespmem:s26+$0x0]  }
0x4c: {  	v2 =	vld [tilespmem:s26+$0x80];
	_ =	sdelay $0x1  }
0x4d: {  	v3 =	vld [tilespmem:s26+$0x100];
	_ =	sdelay $0x1  }
0x4e: {  	v4 =	vld [tilespmem:s26+$0x180]  }
0x4f: {  	vm0 =	vgt.f32 v2, v1  }
0x50: {  	v1 =	vsel vm0, v2, v1;
	v2 =	vld [tilespmem:s26+$0x200]  }
0x51: {  	vm1 =	vgt.f32 v3, v1  }
0x52: {  	v1 =	vsel vm1, v3, v1;
	v3 =	vld [tilespmem:s26+$0x280]  }
0x53: {  	vm2 =	vgt.f32 v4, v1  }
0x54: {  	v1 =	vsel vm2, v4, v1;
	v4 =	vld [tilespmem:s26+$0x300]  }
0x55: {  	vm3 =	vgt.f32 v2, v1  }
0x56: {  	v1 =	vsel vm3, v2, v1;
	v2 =	vld [tilespmem:s26+$0x380]  }
0x57: {  	s25 =	simm.s32 $0x10;
	v5 =	vld [tilespmem:s26+$0x400];
	vm4 =	vgt.f32 v3, v1  }
0x58: {  	v6 =	vld [tilespmem:s25+$0x0];
	v1 =	vsel vm4, v3, v1  }
0x59: {  	v3 =	vld [tilespmem:s25+$0x80];
	vm5 =	vgt.f32 v4, v1  }
0x5a: {  	v1 =	vsel vm5, v4, v1;
	v4 =	vld [tilespmem:s26+$0x480]  }
0x5b: {  	v7 =	vld [tilespmem:s25+$0x100];
	vm6 =	vgt.f32 v2, v1  }
0x5c: {  	v1 =	vsel vm6, v2, v1;
	v2 =	vld [tilespmem:s26+$0x500]  }
0x5d: {  	v8 =	vld [tilespmem:s25+$0x180];
	v9 =	vsel vm0, $0x1, v0;
	vm7 =	vgt.f32 v5, v1  }
0x5e: {  	v9 =	vsel vm1, $0x2, v9;
	vm0 =	vgt.f32 v3, v6;
	v1 =	vsel vm7, v5, v1;
	v5 =	vld [tilespmem:s26+$0x580]  }
0x5f: {  	v10 =	vld [tilespmem:s25+$0x200];
	v3 =	vsel vm0, v3, v6;
	v6 =	vsel vm2, $0x3, v9;
	vm8 =	vgt.f32 v4, v1  }
0x60: {  	v9 =	vld [tilespmem:s26+$0x600];
	vm1 =	vgt.f32 v7, v3;
	v6 =	vsel vm3, $0x4, v6;
	v1 =	vsel vm8, v4, v1  }
0x61: {  	v3 =	vsel vm1, v7, v3;
	v7 =	vld [tilespmem:s25+$0x280];
	v4 =	vsel vm4, $0x5, v6;
	vm9 =	vgt.f32 v2, v1  }
0x62: {  	vm2 =	vgt.f32 v8, v3;
	v6 =	vsel vm5, $0x6, v4;
	v4 =	vld [tilespmem:s26+$0x680];
	v1 =	vsel vm9, v2, v1  }
0x63: {  	v2 =	vsel vm2, v8, v3;
	v3 =	vld [tilespmem:s25+$0x300];
	v6 =	vsel vm6, $0x7, v6;
	vm5 =	vgt.f32 v5, v1  }
0x64: {  	vm3 =	vgt.f32 v10, v2;
	v8 =	vsel vm7, $0x8, v6;
	v6 =	vld [tilespmem:s26+$0x700];
	v11 =	vsel vm5, v5, v1  }
0x65: {  	v10 =	vsel vm3, v10, v2;
	v5 =	vld [tilespmem:s25+$0x380];
	v2 =	vsel vm8, $0x9, v8;
	vm6 =	vgt.f32 v9, v11  }
0x66: {  	s28 =	simm.s32 $0x20;
	v1 =	vld [tilespmem:s25+$0x400];
	vm4 =	vgt.f32 v7, v10;
	v12 =	vsel vm9, $0xA, v2;
	v8 =	vsel vm6, v9, v11  }
0x67: {  	s29 =	simm.s32 $0xC0;
	v2 =	vld [tilespmem:s28+$0x0];
	v7 =	vsel vm4, v7, v10;
	v9 =	vsel vm5, $0xB, v12;
	vm7 =	vgt.f32 v4, v8  }
.LBB2_2:
0x68: {  	p0 =	sne.s32 s29, $0x1C0;
	v10 =	vld [tilespmem:s28+$0x80];
	vm5 =	vgt.f32 v3, v7;
	v9 =	vsel vm6, $0xC, v9;
	v4 =	vsel vm7, v4, v8  }
0x69: {  	v3 =	vsel vm5, v3, v7;
	v7 =	vld [tilespmem:s25+$0x480];
	v8 =	vsel vm7, $0xD, v9;
	vm7 =	vgt.f32 v6, v4  }
0x6a: {  	v4 =	vld [tilespmem:s28+$0x100];
	vm6 =	vgt.f32 v5, v3;
	v6 =	vsel vm7, $0xE, v8  }
0x6b: {  	v3 =	vsel vm6, v5, v3;
	v5 =	vld [tilespmem:s25+$0x500];
	[tilespmem:s26+$0x780] =	vst v6;
	s26 =	smov.u32 s25;
	s25 =	smov.u32 s28  }
0x6c: {  	v8 =	vsel vm0, $0x1, v0;
	v6 =	vld [tilespmem:s25+$0x180];
	vm7 =	vgt.f32 v1, v3  }
0x6d: {  	v8 =	vsel vm1, $0x2, v8;
	vm0 =	vgt.f32 v10, v2;
	v1 =	vsel vm7, v1, v3;
	v9 =	vld [tilespmem:s26+$0x580]  }
0x6e: {  	v3 =	vsel vm2, $0x3, v8;
	v2 =	vsel vm0, v10, v2;
	v10 =	vld [tilespmem:s25+$0x200];
	vm8 =	vgt.f32 v7, v1  }
0x6f: {  	v3 =	vsel vm3, $0x4, v3;
	vm1 =	vgt.f32 v4, v2;
	v1 =	vsel vm8, v7, v1;
	v7 =	vld [tilespmem:s26+$0x600]  }
0x70: {  	v3 =	vsel vm4, $0x5, v3;
	v2 =	vsel vm1, v4, v2;
	v11 =	vld [tilespmem:s25+$0x280];
	vm9 =	vgt.f32 v5, v1  }
0x71: {  	v8 =	vsel vm5, $0x6, v3;
	vm2 =	vgt.f32 v6, v2;
	v1 =	vsel vm9, v5, v1;
	v4 =	vld [tilespmem:s26+$0x680]  }
.Ltmp0:
0x72: {  	v5 =	vsel vm6, $0x7, v8;
	v2 =	vsel vm2, v6, v2;
	v3 =	vld [tilespmem:s25+$0x300];
	vm5 =	vgt.f32 v9, v1;
	(pc) =	sbr.rel @p0 .LBB2_2-.Ltmp0, $4  }
0x73: {  	v8 =	vsel vm7, $0x8, v5;
	vm3 =	vgt.f32 v10, v2;
	v9 =	vsel vm5, v9, v1;
	v6 =	vld [tilespmem:s26+$0x700]  }
0x74: {  	v10 =	vsel vm3, v10, v2;
	v5 =	vld [tilespmem:s25+$0x380];
	v2 =	vsel vm8, $0x9, v8;
	vm6 =	vgt.f32 v7, v9  }
0x75: {  	s28 =	sshra.s32 s29, $0x2;
	vm4 =	vgt.f32 v11, v10;
	v1 =	vld [tilespmem:s25+$0x400];
	v12 =	vsel vm9, $0xA, v2;
	v8 =	vsel vm6, v7, v9  }
0x76: {  	s29 =	sadd.s32 $0x40, s29;
	v2 =	vld [tilespmem:s28+$0x0];
	v7 =	vsel vm4, v11, v10;
	v9 =	vsel vm5, $0xB, v12;
	vm7 =	vgt.f32 v4, v8  }
0x77: {  	v10 =	vld [tilespmem:s28+$0x80];
	v9 =	vsel vm6, $0xC, v9;
	v4 =	vsel vm7, v4, v8  }
0x78: {  	v47 =	vld [tilespmem:s25+$0x480];
	vm5 =	vgt.f32 v3, v7;
	v9 =	vsel vm7, $0xD, v9;
	vm12 =	vgt.f32 v6, v4  }
0x79: {  	v48 =	vld [tilespmem:s28+$0x100];
	v3 =	vsel vm5, v3, v7;
	v6 =	vsel vm12, $0xE, v9  }
0x7a: {  	v49 =	vld [tilespmem:s25+$0x500];
	vm13 =	vgt.f32 v5, v3;
	[tilespmem:s26+$0x780] =	vst v6  }
0x7b: {  	v3 =	vsel vm13, v5, v3;
	v50 =	vld [tilespmem:s28+$0x180]  }
0x7c: {  	v51 =	vsel vm0, $0x1, v0;
	vm14 =	vgt.f32 v1, v3;
	v52 =	vld [tilespmem:s25+$0x580];
	vm0 =	vgt.f32 v10, v2  }
0x7d: {  	v6 =	vsel vm1, $0x2, v51;
	v1 =	vsel vm14, v1, v3;
	v3 =	vld [tilespmem:s28+$0x200];
	v2 =	vsel vm0, v10, v2  }
0x7e: {  	v6 =	vsel vm2, $0x3, v6;
	v53 =	vld [tilespmem:s25+$0x600];
	vm8 =	vgt.f32 v47, v1;
	vm1 =	vgt.f32 v48, v2  }
0x7f: {  	v54 =	vld [tilespmem:s28+$0x280];
	v6 =	vsel vm3, $0x4, v6;
	v1 =	vsel vm8, v47, v1;
	v2 =	vsel vm1, v48, v2  }
0x80: {  	v55 =	vld [tilespmem:s25+$0x680];
	v6 =	vsel vm4, $0x5, v6;
	vm15 =	vgt.f32 v49, v1;
	vm2 =	vgt.f32 v50, v2  }
0x81: {  	v56 =	vld [tilespmem:s28+$0x300];
	v6 =	vsel vm5, $0x6, v6;
	v1 =	vsel vm15, v49, v1;
	v2 =	vsel vm2, v50, v2  }
0x82: {  	v57 =	vld [tilespmem:s25+$0x700];
	v6 =	vsel vm13, $0x7, v6;
	vm9 =	vgt.f32 v52, v1;
	vm3 =	vgt.f32 v3, v2  }
0x83: {  	v6 =	vsel vm14, $0x8, v6;
	v1 =	vsel vm9, v52, v1;
	v2 =	vsel vm3, v3, v2;
	v3 =	vld [tilespmem:s28+$0x380]  }
0x84: {  	v6 =	vsel vm8, $0x9, v6;
	vm10 =	vgt.f32 v53, v1;
	vm11 =	vgt.f32 v54, v2  }
0x85: {  	v58 =	vld [tilespmem:s28+$0x400];
	v6 =	vsel vm15, $0xA, v6;
	v1 =	vsel vm10, v53, v1;
	v2 =	vsel vm11, v54, v2  }
0x86: {  	v59 =	vsel vm9, $0xB, v6;
	vm12 =	vgt.f32 v55, v1;
	vm13 =	vgt.f32 v56, v2  }
0x87: {  	v60 =	vld [tilespmem:s28+$0x480];
	v4 =	vsel vm10, $0xC, v59;
	v1 =	vsel vm12, v55, v1;
	v2 =	vsel vm13, v56, v2  }
0x88: {  	v4 =	vsel vm12, $0xD, v4;
	vm14 =	vgt.f32 v57, v1;
	vm15 =	vgt.f32 v3, v2  }
0x89: {  	v1 =	vsel vm14, $0xE, v4;
	v2 =	vsel vm15, v3, v2;
	v3 =	vld [tilespmem:s28+$0x500]  }
0x8a: {  	[tilespmem:s25+$0x780] =	vst v1;
	v1 =	vsel vm0, $0x1, v0;
	vm9 =	vgt.f32 v58, v2  }
0x8b: {  	v1 =	vsel vm1, $0x2, v1;
	v61 =	vld [tilespmem:s28+$0x580];
	v2 =	vsel vm9, v58, v2  }
0x8c: {  	v1 =	vsel vm2, $0x3, v1;
	vm10 =	vgt.f32 v60, v2  }
0x8d: {  	v62 =	vld [tilespmem:s28+$0x600];
	v1 =	vsel vm3, $0x4, v1;
	v2 =	vsel vm10, v60, v2  }
0x8e: {  	v1 =	vsel vm11, $0x5, v1;
	vm11 =	vgt.f32 v3, v2  }
0x8f: {  	v1 =	vsel vm13, $0x6, v1;
	v2 =	vsel vm11, v3, v2;
	v3 =	vld [tilespmem:s28+$0x680]  }
0x90: {  	v1 =	vsel vm15, $0x7, v1;
	vm12 =	vgt.f32 v61, v2  }
0x91: {  	v63 =	vld [tilespmem:s28+$0x700];
	v1 =	vsel vm9, $0x8, v1;
	v2 =	vsel vm12, v61, v2  }
0x92: {  	v1 =	vsel vm10, $0x9, v1;
	vm13 =	vgt.f32 v62, v2  }
0x93: {  	v1 =	vsel vm11, $0xA, v1;
	v2 =	vsel vm13, v62, v2  }
0x94: {  	v1 =	vsel vm12, $0xB, v1;
	vm14 =	vgt.f32 v3, v2  }
0x95: {  	v1 =	vsel vm13, $0xC, v1;
	v2 =	vsel vm14, v3, v2  }
0x96: {  	s24 =	sadd.s32 $0x1, s24;
	v1 =	vsel vm14, $0xD, v1;
	vm15 =	vgt.f32 v63, v2  }
0x97: {  	p0 =	sne.s32 s24, s19;
	v1 =	vsel vm15, $0xE, v1  }
.Ltmp1:
0x98: {  	[tilespmem:s28+$0x780] =	vst v1;
	(pc) =	sbr.rel @p0 .LBB2_1-.Ltmp1, $4  }
0x99: {  	[hbm4b:s18+s2] =	stream.linear.scatter [tilespmem:s23], [sflag:$0x1], $0x80, $0x38;
	[tilespmem:$0x800] =	vst v63  }
0x9a: {  	_ =	swait.ge [sflag:s20], $0x80  }
0x9b: {  	[sflag:s20] =	ssyncset.done $0x0  }
0x9c: {  	[sflag:s20] =	ssyncadd.s32 $0xFFFFFF80  }
0x9d: {  	_ =	sfence.sel $0x180000  }
0x9e: {  	[bflag:$0x0] =	sbarrier.arrive $0xFFFF  }
0x9f: {  	_ =	strace $0x90000047  }
0xa0: {  	s0 =	stileid.u32;
	[bflag:$0x2] =	sbarrier.arrive $0xFFFF  }
0xa1: {  	p0 =	sne.s32 s0, $0x0;
	s0 =	rddreg [dreg:$0x2]  }
0xa2: {  	s0 =	sadd.s32 @!p0 $0x100000, s0  }
0xa3: {  	[sflag:s0] =	ssyncadd.tile.s32 @!p0 $0x1;
	_ =	shalt  }
.Lfunc_end2:
_tile_overlayer_lowered:
.L_overlay_start_2:
0xa4: {  	(tag) =	ssettag $0x2  }
0xa5: {  	s0 =	rddreg [dreg:$0x0];
	s2 =	stileid.u32  }
0xa6: {  	s1 =	rddreg [dreg:$0x1];
	p0 =	sne.s32 s2, $0x0  }
0xa7: {  	s3 =	rddreg [dreg:$0x2];
	[bflag:$0x3] =	sbarrier.arrive $0xFFFF;
	s2 =	simm.s32 @!p0 $0x1C01  }
0xa8: {  	[timem:s3], [sflag:s2] =	dma.local @!p0 [hbm:s0], s1  }
0xa9: {  	s0 =	simm.s32 @!p0 $0x1  }
0xaa: {  	_ =	swait.ge @!p0 [sflag:s0], s1  }
0xab: {  	s1 =	ssub.s32 @!p0 $0x0, s1;
	[sflag:s0] =	ssyncset.done @!p0 $0x0  }
0xac: {  	[sflag:s0] =	ssyncadd.s32 @!p0 s1  }
0xad: {  	[bflag:$0x3] =	sbarrier.arrive $0xFFFF  }
0xae: {  	_ =	shalt  }

</sc_bundles>
